<compile_context>
chip_gen: v7x
topology: tpu7x:2x2x1
jax: 0.10.2.dev20260603
libtpu: 0.0.44.dev20260713+nightly
codegen_flags: <defaults>
</compile_context>

<pallas_src>
import functools

import jax
import jax.numpy as jnp
from jax import lax
from jax.experimental import pallas as pl
from jax.experimental.pallas import tpu as pltpu
from jax.experimental.pallas import tpu_sc as plsc

N_Q = 10000
N_S = 10000
K = 32
F = 128
C = 64

NW = 32
QPT = 320
N_QPAD = NW * QPT
CHUNK_ROWS = 256
QPC = CHUNK_ROWS // K
CHUNKS = QPT // QPC
PAD_ROWS = (N_QPAD - N_Q) * K
TOTAL = float(N_Q * K)
NBUF = 2


def _mm_body(feat_ref, w_ref, out_ref, out16_ref):
    out = lax.dot_general(
        feat_ref[...], w_ref[...], (((1,), (1,)), ((), ())),
        preferred_element_type=jnp.float32)
    out_ref[...] = out
    out16_ref[...] = out.astype(jnp.bfloat16)


def _project(feat, W):
    return pl.pallas_call(
        _mm_body,
        out_shape=(
            jax.ShapeDtypeStruct((N_S, C), jnp.float32),
            jax.ShapeDtypeStruct((N_S, C), jnp.bfloat16),
        ),
    )(feat, W)


def _sc_body(idx_hbm, table_hbm,
             maxout_hbm, counts_hbm,
             idx_v, table_sp, buf0, buf1, omax_v, counts_v, sem0, sem1):
    sid = lax.axis_index("s")
    wid = sid * 2 + lax.axis_index("c")
    bufs = (buf0, buf1)
    sems = (sem0, sem1)
    rows = N_S // 16
    pltpu.sync_copy(table_hbm.at[pl.ds(sid * rows, rows)],
                    table_sp.at[pl.ds(sid * rows, rows)])
    pltpu.sync_copy(idx_hbm.at[wid], idx_v)
    plsc.subcore_barrier()
    for b in range(NBUF):
        pltpu.async_copy(table_sp.at[idx_v.at[b]], bufs[b], sems[b])

    zero16 = jnp.zeros((16,), jnp.int32)

    def zero_body(i, _):
        counts_v[pl.ds(16 * i, 16)] = zero16
        return 0

    lax.fori_loop(0, N_S // 16, zero_body, 0)

    def hist_body(ch, _):
        for r in range(CHUNK_ROWS // 16):
            vec = idx_v[ch, pl.ds(16 * r, 16)]
            cnt, last = plsc.scan_count(vec)
            plsc.addupdate_scatter(counts_v, [vec], cnt, mask=last)
        return 0

    lax.fori_loop(0, CHUNKS, hist_body, 0)

    def chunk_compute(buf, chunk):
        def qbody(q, _):
            base = K * q
            m = [buf[base, pl.ds(32 * h, 32)] for h in range(2)]
            for r in range(1, K):
                for h in range(2):
                    m[h] = jnp.maximum(m[h], buf[base + r, pl.ds(32 * h, 32)])
            qrow = chunk * QPC + q
            for h in range(2):
                omax_v[qrow, pl.ds(32 * h, 32)] = m[h]
            return 0

        return lax.fori_loop(0, QPC, qbody, 0)

    def loop_body(i, _):
        for b, (buf, sem) in enumerate(zip(bufs, sems)):
            ch = NBUF * i + b
            pltpu.make_async_copy(table_sp.at[idx_v.at[ch]], buf, sem).wait()
            chunk_compute(buf, ch)

            @pl.when(ch + NBUF < CHUNKS)
            def _():
                pltpu.async_copy(table_sp.at[idx_v.at[ch + NBUF]], buf, sem)
        return 0

    lax.fori_loop(0, CHUNKS // NBUF, loop_body, 0)

    pltpu.sync_copy(omax_v, maxout_hbm.at[pl.ds(wid * QPT, QPT)])
    pltpu.sync_copy(counts_v, counts_hbm.at[wid])


_sc_gather_reduce = functools.partial(
    pl.kernel,
    out_type=(
        jax.ShapeDtypeStruct((N_QPAD, C), jnp.bfloat16),
        jax.ShapeDtypeStruct((NW, N_S), jnp.int32),
    ),
    mesh=plsc.VectorSubcoreMesh(core_axis_name="c", subcore_axis_name="s"),
    compiler_params=pltpu.CompilerParams(use_tc_tiling_on_sc=False,
                                         needs_layout_passes=False),
    scratch_types=(
        [
            pltpu.VMEM((CHUNKS, CHUNK_ROWS), jnp.int32),
            pltpu.VMEM_SHARED((N_S, C), jnp.bfloat16),
        ]
        + [pltpu.VMEM((CHUNK_ROWS, C), jnp.bfloat16)] * NBUF
        + [
            pltpu.VMEM((QPT, C), jnp.bfloat16),
            pltpu.VMEM((N_S,), jnp.int32),
        ]
        + [pltpu.SemaphoreType.DMA] * NBUF
    ),
)(_sc_body)


def _fin_body(maxv_ref, counts_ref, proj_ref, g_ref, b_ref, out_ref):
    proj = proj_ref[...]
    counts = jnp.sum(counts_ref[...].astype(jnp.float32), axis=0,
                     keepdims=True)
    pad = (lax.broadcasted_iota(jnp.int32, (1, N_S), 1)
           < PAD_ROWS).astype(jnp.float32)
    counts = counts - pad
    s = lax.dot_general(counts, proj, (((1,), (0,)), ((), ())),
                        preferred_element_type=jnp.float32)
    ss = lax.dot_general(counts, proj * proj, (((1,), (0,)), ((), ())),
                         preferred_element_type=jnp.float32)
    mean = s / TOTAL
    var = ss / TOTAL - mean * mean
    a = g_ref[...] * lax.rsqrt(var + 1e-5)
    b = b_ref[...] - mean * a
    x = maxv_ref[...].astype(jnp.float32) * a + b
    out_ref[...] = jnp.where(x >= 0, x, 0.1 * x)


def _finalize(maxv, counts, proj, gamma, beta):
    return pl.pallas_call(
        _fin_body,
        out_shape=jax.ShapeDtypeStruct((N_QPAD, C), jnp.float32),
    )(maxv, counts, proj, gamma, beta)


def kernel(q_points, s_points, neighb_inds, feat, W, bn_gamma, bn_beta):
    proj, proj16 = _project(feat, W)
    flat = jnp.concatenate([
        neighb_inds.astype(jnp.int32).reshape(-1),
        jnp.arange(PAD_ROWS, dtype=jnp.int32),
    ])
    idx3 = flat.reshape(NW, CHUNKS, CHUNK_ROWS)
    maxv, counts = _sc_gather_reduce(idx3, proj16)
    out = _finalize(maxv, counts, proj,
                    bn_gamma.reshape(1, C), bn_beta.reshape(1, C))
    return out[:N_Q]

# --- scband reference (transcript-rebuilt; emitter-appended) ---
"""Pipeline reference for scband-graph-conv-37855841747675 (READ-ONLY COPY).

The authoritative reference and input builder live on the scoring server;
editing this copy changes nothing except your own understanding.
"""

import jax, jax.numpy as jnp
import numpy as np

N_Q = 10000
N_S = 10000
K = 32
F = 128
C_OUT = 64


def setup_inputs(seed: int = 0) -> dict:
    key = jax.random.key(seed)
    k1, k2, k3, k4, k5 = jax.random.split(key, 5)
    q_points = jax.random.normal(k1, (N_Q, 3), dtype=jnp.float32)
    s_points = jax.random.normal(k2, (N_S, 3), dtype=jnp.float32)
    neighb_inds = jax.random.randint(k3, (N_Q, K), 0, N_S)
    feat = jax.random.normal(k4, (N_S, F), dtype=jnp.float32)
    # Conv2d(F, C_OUT, 1, bias=False) default init: kaiming_uniform with a=sqrt(5)
    # -> bound = 1/sqrt(fan_in), fan_in = F * 1 * 1
    bound = 1.0 / np.sqrt(F)
    W = jax.random.uniform(k5, (C_OUT, F), minval=-bound, maxval=bound, dtype=jnp.float32)
    bn_gamma = jnp.ones((C_OUT,), dtype=jnp.float32)
    bn_beta = jnp.zeros((C_OUT,), dtype=jnp.float32)
    return {"q_points": q_points, "s_points": s_points, "neighb_inds": neighb_inds,
            "feat": feat, "W": W, "bn_gamma": bn_gamma, "bn_beta": bn_beta}


def reference(q_points, s_points, neighb_inds, feat, W, bn_gamma, bn_beta):
    # pad support points / features with a zero row (sentinel index n_supports)
    s_pad = jnp.concatenate([s_points, jnp.zeros((1, s_points.shape[1]), dtype=s_points.dtype)], axis=0)
    feat_pad = jnp.concatenate([feat, jnp.zeros((1, feat.shape[1]), dtype=feat.dtype)], axis=0)
    # get_graph_feature (feat_mode='none'): plain gather
    x = jnp.take(s_pad, neighb_inds, axis=0)      # [N_Q, K, 3]
    y = jnp.take(feat_pad, neighb_inds, axis=0)   # [N_Q, K, F]
    x = x - q_points[:, None, :]                  # computed as in torch forward (unused for 'none')
    # 1x1 Conv2d on [1, F, N_Q, K] == per-(q,k) linear map F -> C_OUT
    out = jnp.einsum('qkf,cf->qkc', y, W)         # [N_Q, K, C_OUT]
    # BatchNorm2d in training mode: biased batch stats over (N, H, W) per channel
    mean = jnp.mean(out, axis=(0, 1))
    var = jnp.var(out, axis=(0, 1))
    out = (out - mean) / jnp.sqrt(var + 1e-5) * bn_gamma + bn_beta
    # LeakyReLU(0.1)
    out = jnp.where(out >= 0, out, 0.1 * out)
    # max over neighbors k
    out = jnp.max(out, axis=1)                    # [N_Q, C_OUT]
    return out

if __name__ == "__main__":
    import jax
    _d = setup_inputs()
    print(jax.jit(kernel)(*tuple(_d.values())))

</pallas_src>

<mosaic_0001>
#map = affine_map<(d0, d1) -> (0, 0, 0)>
#map1 = affine_map<(d0, d1) -> (0, 0)>
module attributes {stable_mosaic.version = 14 : i64} {
  func.func @_sc_body(%arg0: i32, %arg1: i32, %arg2: memref<32x40x256xi32, #tpu.memory_space<hbm>>, %arg3: memref<10000x64xbf16, #tpu.memory_space<hbm>>, %arg4: memref<10240x64xbf16, #tpu.memory_space<hbm>>, %arg5: memref<32x10000xi32, #tpu.memory_space<hbm>>, %arg6: memref<40x256xi32, #tpu.memory_space<vmem>>, %arg7: memref<10000x64xbf16, #tpu.memory_space<vmem_shared>>, %arg8: memref<256x64xbf16, #tpu.memory_space<vmem>>, %arg9: memref<256x64xbf16, #tpu.memory_space<vmem>>, %arg10: memref<320x64xbf16, #tpu.memory_space<vmem>>, %arg11: memref<10000xi32, #tpu.memory_space<vmem>>, %arg12: memref<!tpu.dma_semaphore, #tpu.memory_space<semaphore_mem>>, %arg13: memref<!tpu.dma_semaphore, #tpu.memory_space<semaphore_mem>>) attributes {dimension_semantics = [#tpu.dimension_semantics<core_parallel>, #tpu.dimension_semantics<subcore_parallel>], iteration_bounds = array<i64: 2, 16>, scalar_prefetch = 0 : i64, scratch_operands = 8 : i64, tpu.core_type = #tpu.core_type<sc_vector_subcore>, window_params = [{transform_indices = #map}, {transform_indices = #map1}, {transform_indices = #map1}, {transform_indices = #map1}]} {
    %mul3A = arith.constant 2 : i32
    %mul3A_0 = arith.muli %arg1, %mul3A : i32
    %add3A = arith.addi %mul3A_0, %arg0 : i32
    %mul3A_1 = arith.constant 625 : i32
    %mul3A_2 = arith.muli %arg1, %mul3A_1 : i32
    %mul3A_3 = arith.constant 625 : i32
    %mul3A_4 = arith.muli %arg1, %mul3A_3 : i32
    "tpu.region"() ({
      %run_scoped3A = tpu.sem_alloc : memref<!tpu.dma_semaphore, #tpu.memory_space<semaphore_mem>>
      %dma_start3A_41 = arith.constant 0 : i32
      %dma_start3A_42 = tpu.memref_slice %arg7[%mul3A_4, %dma_start3A_41] : memref<10000x64xbf16, #tpu.memory_space<vmem_shared>> -> memref<625x64xbf16, #tpu.memory_space<vmem_shared>>
      %dma_start3A_43 = arith.constant 0 : i32
      %dma_start3A_44 = tpu.memref_slice %arg3[%mul3A_2, %dma_start3A_43] : memref<10000x64xbf16, #tpu.memory_space<hbm>> -> memref<625x64xbf16, #tpu.memory_space<hbm>>
      tpu.enqueue_dma source(%dma_start3A_44 : memref<625x64xbf16, #tpu.memory_space<hbm>>) target(%dma_start3A_42 : memref<625x64xbf16, #tpu.memory_space<vmem_shared>>) target_semaphore(%run_scoped3A : memref<!tpu.dma_semaphore, #tpu.memory_space<semaphore_mem>>)
      %dma_wait3A = arith.constant 0 : i32
      %dma_wait3A_45 = tpu.memref_slice %arg7[%mul3A_4, %dma_wait3A] : memref<10000x64xbf16, #tpu.memory_space<vmem_shared>> -> memref<625x64xbf16, #tpu.memory_space<vmem_shared>>
      %dma_wait3A_46 = arith.constant 0 : i32
      %dma_wait3A_47 = tpu.memref_slice %arg3[%mul3A_2, %dma_wait3A_46] : memref<10000x64xbf16, #tpu.memory_space<hbm>> -> memref<625x64xbf16, #tpu.memory_space<hbm>>
      tpu.wait_dma2 semaphore(%run_scoped3A : memref<!tpu.dma_semaphore, #tpu.memory_space<semaphore_mem>>) src(%dma_wait3A_47 : memref<625x64xbf16, #tpu.memory_space<hbm>>) dst(%dma_wait3A_45 : memref<625x64xbf16, #tpu.memory_space<vmem_shared>>)
      tpu.yield
    }) : () -> ()
    "tpu.region"() ({
      %run_scoped3A = tpu.sem_alloc : memref<!tpu.dma_semaphore, #tpu.memory_space<semaphore_mem>>
      %dma_start3A_41 = arith.constant 0 : i32
      %dma_start3A_42 = arith.constant 0 : i32
      %dma_start3A_43 = tpu.memref_slice %arg2[%add3A, %dma_start3A_41, %dma_start3A_42] : memref<32x40x256xi32, #tpu.memory_space<hbm>> -> memref<1x40x256xi32, #tpu.memory_space<hbm>>
      %dma_start3A_44 = tpu.memref_squeeze %dma_start3A_43 : memref<1x40x256xi32, #tpu.memory_space<hbm>> -> memref<40x256xi32, #tpu.memory_space<hbm>>
      %dma_start3A_45 = arith.constant 0 : i32
      %dma_start3A_46 = arith.constant 0 : i32
      %dma_start3A_47 = tpu.memref_slice %arg2[%add3A, %dma_start3A_45, %dma_start3A_46] : memref<32x40x256xi32, #tpu.memory_space<hbm>> -> memref<1x40x256xi32, #tpu.memory_space<hbm>>
      %dma_start3A_48 = tpu.memref_squeeze %dma_start3A_47 : memref<1x40x256xi32, #tpu.memory_space<hbm>> -> memref<40x256xi32, #tpu.memory_space<hbm>>
      tpu.enqueue_dma source(%dma_start3A_48 : memref<40x256xi32, #tpu.memory_space<hbm>>) target(%arg6 : memref<40x256xi32, #tpu.memory_space<vmem>>) target_semaphore(%run_scoped3A : memref<!tpu.dma_semaphore, #tpu.memory_space<semaphore_mem>>)
      %dma_wait3A = arith.constant 0 : i32
      %dma_wait3A_49 = arith.constant 0 : i32
      %dma_wait3A_50 = tpu.memref_slice %arg2[%add3A, %dma_wait3A, %dma_wait3A_49] : memref<32x40x256xi32, #tpu.memory_space<hbm>> -> memref<1x40x256xi32, #tpu.memory_space<hbm>>
      %dma_wait3A_51 = tpu.memref_squeeze %dma_wait3A_50 : memref<1x40x256xi32, #tpu.memory_space<hbm>> -> memref<40x256xi32, #tpu.memory_space<hbm>>
      %dma_wait3A_52 = arith.constant 0 : i32
      %dma_wait3A_53 = arith.constant 0 : i32
      %dma_wait3A_54 = tpu.memref_slice %arg2[%add3A, %dma_wait3A_52, %dma_wait3A_53] : memref<32x40x256xi32, #tpu.memory_space<hbm>> -> memref<1x40x256xi32, #tpu.memory_space<hbm>>
      %dma_wait3A_55 = tpu.memref_squeeze %dma_wait3A_54 : memref<1x40x256xi32, #tpu.memory_space<hbm>> -> memref<40x256xi32, #tpu.memory_space<hbm>>
      tpu.wait_dma2 semaphore(%run_scoped3A : memref<!tpu.dma_semaphore, #tpu.memory_space<semaphore_mem>>) src(%dma_wait3A_55 : memref<40x256xi32, #tpu.memory_space<hbm>>) dst(%arg6 : memref<40x256xi32, #tpu.memory_space<vmem>>)
      tpu.yield
    }) : () -> ()
    %barrier3A = arith.constant 0 : index
    tpu.barrier barrier_id(%barrier3A)
    %dma_start3A = arith.constant 0 : i32
    %dma_start3A_5 = arith.constant 0 : i32
    %dma_start3A_6 = tpu.memref_slice %arg6[%dma_start3A, %dma_start3A_5] : memref<40x256xi32, #tpu.memory_space<vmem>> -> memref<1x256xi32, #tpu.memory_space<vmem>>
    %dma_start3A_7 = tpu.memref_squeeze %dma_start3A_6 : memref<1x256xi32, #tpu.memory_space<vmem>> -> memref<256xi32, #tpu.memory_space<vmem>>
    %dma_start3A_8 = arith.constant 0 : i32
    %dma_start3A_9 = arith.constant 0 : i32
    %dma_start3A_10 = tpu.memref_slice %arg7[%dma_start3A_8, %dma_start3A_9] : memref<10000x64xbf16, #tpu.memory_space<vmem_shared>> -> memref<10000x64xbf16, #tpu.memory_space<vmem_shared>>
    tpu.enqueue_indirect_dma source(%dma_start3A_10 : memref<10000x64xbf16, #tpu.memory_space<vmem_shared>>) target(%arg8 : memref<256x64xbf16, #tpu.memory_space<vmem>>) offsets(%dma_start3A_7 : memref<256xi32, #tpu.memory_space<vmem>>) semaphore(%arg12 : memref<!tpu.dma_semaphore, #tpu.memory_space<semaphore_mem>>)
    %dma_start3A_11 = arith.constant 1 : i32
    %dma_start3A_12 = arith.constant 0 : i32
    %dma_start3A_13 = tpu.memref_slice %arg6[%dma_start3A_11, %dma_start3A_12] : memref<40x256xi32, #tpu.memory_space<vmem>> -> memref<1x256xi32, #tpu.memory_space<vmem>>
    %dma_start3A_14 = tpu.memref_squeeze %dma_start3A_13 : memref<1x256xi32, #tpu.memory_space<vmem>> -> memref<256xi32, #tpu.memory_space<vmem>>
    %dma_start3A_15 = arith.constant 0 : i32
    %dma_start3A_16 = arith.constant 0 : i32
    %dma_start3A_17 = tpu.memref_slice %arg7[%dma_start3A_15, %dma_start3A_16] : memref<10000x64xbf16, #tpu.memory_space<vmem_shared>> -> memref<10000x64xbf16, #tpu.memory_space<vmem_shared>>
    tpu.enqueue_indirect_dma source(%dma_start3A_17 : memref<10000x64xbf16, #tpu.memory_space<vmem_shared>>) target(%arg9 : memref<256x64xbf16, #tpu.memory_space<vmem>>) offsets(%dma_start3A_14 : memref<256xi32, #tpu.memory_space<vmem>>) semaphore(%arg13 : memref<!tpu.dma_semaphore, #tpu.memory_space<semaphore_mem>>)
    %broadcast_in_dim3A = arith.constant 0 : i32
    %broadcast_in_dim3A_18 = vector.broadcast %broadcast_in_dim3A : i32 to vector<16xi32>
    %scan3A = arith.constant 0 : i32
    %scan3A_19 = arith.constant 0 : i32
    %scan3A_20 = arith.constant 625 : i32
    %scan3A_21 = arith.addi %scan3A_19, %scan3A_20 : i32
    %scan3A_22 = arith.constant 1 : i32
    %scan3A_23 = scf.for %scan3A_41 = %scan3A_19 to %scan3A_21 step %scan3A_22 iter_args(%scan3A_42 = %scan3A) -> (i32)  : i32 {
      %mul3A_43 = arith.constant 16 : i32
      %mul3A_44 = arith.muli %mul3A_43, %scan3A_41 : i32
      %swap3A = arith.index_cast %mul3A_44 : i32 to index
      %swap3A_45 = tpu.vector_load %arg11[%swap3A] {strides = array<i32>} : memref<10000xi32, #tpu.memory_space<vmem>>, vector<16xi32>,
      tpu.vector_store %arg11[%swap3A], %broadcast_in_dim3A_18 {strides = array<i32>} : memref<10000xi32, #tpu.memory_space<vmem>>, vector<16xi32>,
      %scan3A_46 = arith.constant 0 : i32
      scf.yield %scan3A_46 : i32
    }
    %scan3A_24 = arith.constant 625 : i32
    %scan3A_25 = arith.constant 0 : i32
    %scan3A_26 = arith.constant 0 : i32
    %scan3A_27 = arith.constant 40 : i32
    %scan3A_28 = arith.addi %scan3A_26, %scan3A_27 : i32
    %scan3A_29 = arith.constant 1 : i32
    %scan3A_30 = scf.for %scan3A_41 = %scan3A_26 to %scan3A_28 step %scan3A_29 iter_args(%scan3A_42 = %scan3A_25) -> (i32)  : i32 {
      %get3A = arith.index_cast %scan3A_41 : i32 to index
      %get3A_43 = arith.constant 0 : index
      %get3A_44 = tpu.vector_load %arg6[%get3A, %get3A_43] {strides = array<i32>} : memref<40x256xi32, #tpu.memory_space<vmem>>, vector<16xi32>,
      %broadcast_in_dim3A_45 = arith.constant true
      %broadcast_in_dim3A_46 = vector.broadcast %broadcast_in_dim3A_45 : i1 to vector<16xi1>
      %unique3A, %unique3A_47 = tpu.scan_count mask(%broadcast_in_dim3A_46 : vector<16xi1>) value(%get3A_44 : vector<16xi32>) : vector<16xi1>, vector<16xi32>
      tpu.vector_store_idx %arg11[%get3A_44], %unique3A_47 masked %unique3A {add = true} : memref<10000xi32, #tpu.memory_space<vmem>>[vector<16xi32>], vector<16xi32>, vector<16xi1>
      %get3A_48 = arith.index_cast %scan3A_41 : i32 to index
      %get3A_49 = arith.constant 16 : index
      %get3A_50 = tpu.vector_load %arg6[%get3A_48, %get3A_49] {strides = array<i32>} : memref<40x256xi32, #tpu.memory_space<vmem>>, vector<16xi32>,
      %broadcast_in_dim3A_51 = arith.constant true
      %broadcast_in_dim3A_52 = vector.broadcast %broadcast_in_dim3A_51 : i1 to vector<16xi1>
      %unique3A_53, %unique3A_54 = tpu.scan_count mask(%broadcast_in_dim3A_52 : vector<16xi1>) value(%get3A_50 : vector<16xi32>) : vector<16xi1>, vector<16xi32>
      tpu.vector_store_idx %arg11[%get3A_50], %unique3A_54 masked %unique3A_53 {add = true} : memref<10000xi32, #tpu.memory_space<vmem>>[vector<16xi32>], vector<16xi32>, vector<16xi1>
      %get3A_55 = arith.index_cast %scan3A_41 : i32 to index
      %get3A_56 = arith.constant 32 : index
      %get3A_57 = tpu.vector_load %arg6[%get3A_55, %get3A_56] {strides = array<i32>} : memref<40x256xi32, #tpu.memory_space<vmem>>, vector<16xi32>,
      %broadcast_in_dim3A_58 = arith.constant true
      %broadcast_in_dim3A_59 = vector.broadcast %broadcast_in_dim3A_58 : i1 to vector<16xi1>
      %unique3A_60, %unique3A_61 = tpu.scan_count mask(%broadcast_in_dim3A_59 : vector<16xi1>) value(%get3A_57 : vector<16xi32>) : vector<16xi1>, vector<16xi32>
      tpu.vector_store_idx %arg11[%get3A_57], %unique3A_61 masked %unique3A_60 {add = true} : memref<10000xi32, #tpu.memory_space<vmem>>[vector<16xi32>], vector<16xi32>, vector<16xi1>
      %get3A_62 = arith.index_cast %scan3A_41 : i32 to index
      %get3A_63 = arith.constant 48 : index
      %get3A_64 = tpu.vector_load %arg6[%get3A_62, %get3A_63] {strides = array<i32>} : memref<40x256xi32, #tpu.memory_space<vmem>>, vector<16xi32>,
      %broadcast_in_dim3A_65 = arith.constant true
      %broadcast_in_dim3A_66 = vector.broadcast %broadcast_in_dim3A_65 : i1 to vector<16xi1>
      %unique3A_67, %unique3A_68 = tpu.scan_count mask(%broadcast_in_dim3A_66 : vector<16xi1>) value(%get3A_64 : vector<16xi32>) : vector<16xi1>, vector<16xi32>
      tpu.vector_store_idx %arg11[%get3A_64], %unique3A_68 masked %unique3A_67 {add = true} : memref<10000xi32, #tpu.memory_space<vmem>>[vector<16xi32>], vector<16xi32>, vector<16xi1>
      %get3A_69 = arith.index_cast %scan3A_41 : i32 to index
      %get3A_70 = arith.constant 64 : index
      %get3A_71 = tpu.vector_load %arg6[%get3A_69, %get3A_70] {strides = array<i32>} : memref<40x256xi32, #tpu.memory_space<vmem>>, vector<16xi32>,
      %broadcast_in_dim3A_72 = arith.constant true
      %broadcast_in_dim3A_73 = vector.broadcast %broadcast_in_dim3A_72 : i1 to vector<16xi1>
      %unique3A_74, %unique3A_75 = tpu.scan_count mask(%broadcast_in_dim3A_73 : vector<16xi1>) value(%get3A_71 : vector<16xi32>) : vector<16xi1>, vector<16xi32>
      tpu.vector_store_idx %arg11[%get3A_71], %unique3A_75 masked %unique3A_74 {add = true} : memref<10000xi32, #tpu.memory_space<vmem>>[vector<16xi32>], vector<16xi32>, vector<16xi1>
      %get3A_76 = arith.index_cast %scan3A_41 : i32 to index
      %get3A_77 = arith.constant 80 : index
      %get3A_78 = tpu.vector_load %arg6[%get3A_76, %get3A_77] {strides = array<i32>} : memref<40x256xi32, #tpu.memory_space<vmem>>, vector<16xi32>,
      %broadcast_in_dim3A_79 = arith.constant true
      %broadcast_in_dim3A_80 = vector.broadcast %broadcast_in_dim3A_79 : i1 to vector<16xi1>
      %unique3A_81, %unique3A_82 = tpu.scan_count mask(%broadcast_in_dim3A_80 : vector<16xi1>) value(%get3A_78 : vector<16xi32>) : vector<16xi1>, vector<16xi32>
      tpu.vector_store_idx %arg11[%get3A_78], %unique3A_82 masked %unique3A_81 {add = true} : memref<10000xi32, #tpu.memory_space<vmem>>[vector<16xi32>], vector<16xi32>, vector<16xi1>
      %get3A_83 = arith.index_cast %scan3A_41 : i32 to index
      %get3A_84 = arith.constant 96 : index
      %get3A_85 = tpu.vector_load %arg6[%get3A_83, %get3A_84] {strides = array<i32>} : memref<40x256xi32, #tpu.memory_space<vmem>>, vector<16xi32>,
      %broadcast_in_dim3A_86 = arith.constant true
      %broadcast_in_dim3A_87 = vector.broadcast %broadcast_in_dim3A_86 : i1 to vector<16xi1>
      %unique3A_88, %unique3A_89 = tpu.scan_count mask(%broadcast_in_dim3A_87 : vector<16xi1>) value(%get3A_85 : vector<16xi32>) : vector<16xi1>, vector<16xi32>
      tpu.vector_store_idx %arg11[%get3A_85], %unique3A_89 masked %unique3A_88 {add = true} : memref<10000xi32, #tpu.memory_space<vmem>>[vector<16xi32>], vector<16xi32>, vector<16xi1>
      %get3A_90 = arith.index_cast %scan3A_41 : i32 to index
      %get3A_91 = arith.constant 112 : index
      %get3A_92 = tpu.vector_load %arg6[%get3A_90, %get3A_91] {strides = array<i32>} : memref<40x256xi32, #tpu.memory_space<vmem>>, vector<16xi32>,
      %broadcast_in_dim3A_93 = arith.constant true
      %broadcast_in_dim3A_94 = vector.broadcast %broadcast_in_dim3A_93 : i1 to vector<16xi1>
      %unique3A_95, %unique3A_96 = tpu.scan_count mask(%broadcast_in_dim3A_94 : vector<16xi1>) value(%get3A_92 : vector<16xi32>) : vector<16xi1>, vector<16xi32>
      tpu.vector_store_idx %arg11[%get3A_92], %unique3A_96 masked %unique3A_95 {add = true} : memref<10000xi32, #tpu.memory_space<vmem>>[vector<16xi32>], vector<16xi32>, vector<16xi1>
      %get3A_97 = arith.index_cast %scan3A_41 : i32 to index
      %get3A_98 = arith.constant 128 : index
      %get3A_99 = tpu.vector_load %arg6[%get3A_97, %get3A_98] {strides = array<i32>} : memref<40x256xi32, #tpu.memory_space<vmem>>, vector<16xi32>,
      %broadcast_in_dim3A_100 = arith.constant true
      %broadcast_in_dim3A_101 = vector.broadcast %broadcast_in_dim3A_100 : i1 to vector<16xi1>
      %unique3A_102, %unique3A_103 = tpu.scan_count mask(%broadcast_in_dim3A_101 : vector<16xi1>) value(%get3A_99 : vector<16xi32>) : vector<16xi1>, vector<16xi32>
      tpu.vector_store_idx %arg11[%get3A_99], %unique3A_103 masked %unique3A_102 {add = true} : memref<10000xi32, #tpu.memory_space<vmem>>[vector<16xi32>], vector<16xi32>, vector<16xi1>
      %get3A_104 = arith.index_cast %scan3A_41 : i32 to index
      %get3A_105 = arith.constant 144 : index
      %get3A_106 = tpu.vector_load %arg6[%get3A_104, %get3A_105] {strides = array<i32>} : memref<40x256xi32, #tpu.memory_space<vmem>>, vector<16xi32>,
      %broadcast_in_dim3A_107 = arith.constant true
      %broadcast_in_dim3A_108 = vector.broadcast %broadcast_in_dim3A_107 : i1 to vector<16xi1>
      %unique3A_109, %unique3A_110 = tpu.scan_count mask(%broadcast_in_dim3A_108 : vector<16xi1>) value(%get3A_106 : vector<16xi32>) : vector<16xi1>, vector<16xi32>
      tpu.vector_store_idx %arg11[%get3A_106], %unique3A_110 masked %unique3A_109 {add = true} : memref<10000xi32, #tpu.memory_space<vmem>>[vector<16xi32>], vector<16xi32>, vector<16xi1>
      %get3A_111 = arith.index_cast %scan3A_41 : i32 to index
      %get3A_112 = arith.constant 160 : index
      %get3A_113 = tpu.vector_load %arg6[%get3A_111, %get3A_112] {strides = array<i32>} : memref<40x256xi32, #tpu.memory_space<vmem>>, vector<16xi32>,
      %broadcast_in_dim3A_114 = arith.constant true
      %broadcast_in_dim3A_115 = vector.broadcast %broadcast_in_dim3A_114 : i1 to vector<16xi1>
      %unique3A_116, %unique3A_117 = tpu.scan_count mask(%broadcast_in_dim3A_115 : vector<16xi1>) value(%get3A_113 : vector<16xi32>) : vector<16xi1>, vector<16xi32>
      tpu.vector_store_idx %arg11[%get3A_113], %unique3A_117 masked %unique3A_116 {add = true} : memref<10000xi32, #tpu.memory_space<vmem>>[vector<16xi32>], vector<16xi32>, vector<16xi1>
      %get3A_118 = arith.index_cast %scan3A_41 : i32 to index
      %get3A_119 = arith.constant 176 : index
      %get3A_120 = tpu.vector_load %arg6[%get3A_118, %get3A_119] {strides = array<i32>} : memref<40x256xi32, #tpu.memory_space<vmem>>, vector<16xi32>,
      %broadcast_in_dim3A_121 = arith.constant true
      %broadcast_in_dim3A_122 = vector.broadcast %broadcast_in_dim3A_121 : i1 to vector<16xi1>
      %unique3A_123, %unique3A_124 = tpu.scan_count mask(%broadcast_in_dim3A_122 : vector<16xi1>) value(%get3A_120 : vector<16xi32>) : vector<16xi1>, vector<16xi32>
      tpu.vector_store_idx %arg11[%get3A_120], %unique3A_124 masked %unique3A_123 {add = true} : memref<10000xi32, #tpu.memory_space<vmem>>[vector<16xi32>], vector<16xi32>, vector<16xi1>
      %get3A_125 = arith.index_cast %scan3A_41 : i32 to index
      %get3A_126 = arith.constant 192 : index
      %get3A_127 = tpu.vector_load %arg6[%get3A_125, %get3A_126] {strides = array<i32>} : memref<40x256xi32, #tpu.memory_space<vmem>>, vector<16xi32>,
      %broadcast_in_dim3A_128 = arith.constant true
      %broadcast_in_dim3A_129 = vector.broadcast %broadcast_in_dim3A_128 : i1 to vector<16xi1>
      %unique3A_130, %unique3A_131 = tpu.scan_count mask(%broadcast_in_dim3A_129 : vector<16xi1>) value(%get3A_127 : vector<16xi32>) : vector<16xi1>, vector<16xi32>
      tpu.vector_store_idx %arg11[%get3A_127], %unique3A_131 masked %unique3A_130 {add = true} : memref<10000xi32, #tpu.memory_space<vmem>>[vector<16xi32>], vector<16xi32>, vector<16xi1>
      %get3A_132 = arith.index_cast %scan3A_41 : i32 to index
      %get3A_133 = arith.constant 208 : index
      %get3A_134 = tpu.vector_load %arg6[%get3A_132, %get3A_133] {strides = array<i32>} : memref<40x256xi32, #tpu.memory_space<vmem>>, vector<16xi32>,
      %broadcast_in_dim3A_135 = arith.constant true
      %broadcast_in_dim3A_136 = vector.broadcast %broadcast_in_dim3A_135 : i1 to vector<16xi1>
      %unique3A_137, %unique3A_138 = tpu.scan_count mask(%broadcast_in_dim3A_136 : vector<16xi1>) value(%get3A_134 : vector<16xi32>) : vector<16xi1>, vector<16xi32>
      tpu.vector_store_idx %arg11[%get3A_134], %unique3A_138 masked %unique3A_137 {add = true} : memref<10000xi32, #tpu.memory_space<vmem>>[vector<16xi32>], vector<16xi32>, vector<16xi1>
      %get3A_139 = arith.index_cast %scan3A_41 : i32 to index
      %get3A_140 = arith.constant 224 : index
      %get3A_141 = tpu.vector_load %arg6[%get3A_139, %get3A_140] {strides = array<i32>} : memref<40x256xi32, #tpu.memory_space<vmem>>, vector<16xi32>,
      %broadcast_in_dim3A_142 = arith.constant true
      %broadcast_in_dim3A_143 = vector.broadcast %broadcast_in_dim3A_142 : i1 to vector<16xi1>
      %unique3A_144, %unique3A_145 = tpu.scan_count mask(%broadcast_in_dim3A_143 : vector<16xi1>) value(%get3A_141 : vector<16xi32>) : vector<16xi1>, vector<16xi32>
      tpu.vector_store_idx %arg11[%get3A_141], %unique3A_145 masked %unique3A_144 {add = true} : memref<10000xi32, #tpu.memory_space<vmem>>[vector<16xi32>], vector<16xi32>, vector<16xi1>
      %get3A_146 = arith.index_cast %scan3A_41 : i32 to index
      %get3A_147 = arith.constant 240 : index
      %get3A_148 = tpu.vector_load %arg6[%get3A_146, %get3A_147] {strides = array<i32>} : memref<40x256xi32, #tpu.memory_space<vmem>>, vector<16xi32>,
      %broadcast_in_dim3A_149 = arith.constant true
      %broadcast_in_dim3A_150 = vector.broadcast %broadcast_in_dim3A_149 : i1 to vector<16xi1>
      %unique3A_151, %unique3A_152 = tpu.scan_count mask(%broadcast_in_dim3A_150 : vector<16xi1>) value(%get3A_148 : vector<16xi32>) : vector<16xi1>, vector<16xi32>
      tpu.vector_store_idx %arg11[%get3A_148], %unique3A_152 masked %unique3A_151 {add = true} : memref<10000xi32, #tpu.memory_space<vmem>>[vector<16xi32>], vector<16xi32>, vector<16xi1>
      %scan3A_153 = arith.constant 0 : i32
      scf.yield %scan3A_153 : i32
    }
    %scan3A_31 = arith.constant 40 : i32
    %scan3A_32 = arith.constant 0 : i32
    %scan3A_33 = arith.constant 0 : i32
    %scan3A_34 = arith.constant 20 : i32
    %scan3A_35 = arith.addi %scan3A_33, %scan3A_34 : i32
    %scan3A_36 = arith.constant 1 : i32
    %scan3A_37 = scf.for %scan3A_41 = %scan3A_33 to %scan3A_35 step %scan3A_36 iter_args(%scan3A_42 = %scan3A_32) -> (i32)  : i32 {
      %mul3A_43 = arith.constant 2 : i32
      %mul3A_44 = arith.muli %mul3A_43, %scan3A_41 : i32
      %add3A_45 = arith.constant 0 : i32
      %add3A_46 = arith.addi %mul3A_44, %add3A_45 : i32
      %dma_wait3A = arith.constant 0 : i32
      %dma_wait3A_47 = tpu.memref_slice %arg6[%add3A_46, %dma_wait3A] : memref<40x256xi32, #tpu.memory_space<vmem>> -> memref<1x256xi32, #tpu.memory_space<vmem>>
      %dma_wait3A_48 = tpu.memref_squeeze %dma_wait3A_47 : memref<1x256xi32, #tpu.memory_space<vmem>> -> memref<256xi32, #tpu.memory_space<vmem>>
      %dma_wait3A_49 = arith.constant 0 : i32
      %dma_wait3A_50 = arith.constant 0 : i32
      %dma_wait3A_51 = tpu.memref_slice %arg7[%dma_wait3A_49, %dma_wait3A_50] : memref<10000x64xbf16, #tpu.memory_space<vmem_shared>> -> memref<10000x64xbf16, #tpu.memory_space<vmem_shared>>
      tpu.wait_indirect_dma semaphore(%arg12 : memref<!tpu.dma_semaphore, #tpu.memory_space<semaphore_mem>>) src(%dma_wait3A_51 : memref<10000x64xbf16, #tpu.memory_space<vmem_shared>>) dst(%arg8 : memref<256x64xbf16, #tpu.memory_space<vmem>>)
      %scan3A_52 = arith.constant 0 : i32
      %scan3A_53 = arith.constant 0 : i32
      %scan3A_54 = arith.constant 8 : i32
      %scan3A_55 = arith.addi %scan3A_53, %scan3A_54 : i32
      %scan3A_56 = arith.constant 1 : i32
      %scan3A_57 = scf.for %scan3A_88 = %scan3A_53 to %scan3A_55 step %scan3A_56 iter_args(%scan3A_89 = %scan3A_52) -> (i32)  : i32 {
        %mul3A_90 = arith.constant 32 : i32
        %mul3A_91 = arith.muli %mul3A_90, %scan3A_88 : i32
        %get3A = arith.index_cast %mul3A_91 : i32 to index
        %get3A_92 = arith.constant 0 : index
        %get3A_93 = tpu.vector_load %arg8[%get3A, %get3A_92] {strides = array<i32>} : memref<256x64xbf16, #tpu.memory_space<vmem>>, vector<32xbf16>,
        %get3A_94 = arith.index_cast %mul3A_91 : i32 to index
        %get3A_95 = arith.constant 32 : index
        %get3A_96 = tpu.vector_load %arg8[%get3A_94, %get3A_95] {strides = array<i32>} : memref<256x64xbf16, #tpu.memory_space<vmem>>, vector<32xbf16>,
        %add3A_97 = arith.constant 1 : i32
        %add3A_98 = arith.addi %mul3A_91, %add3A_97 : i32
        %get3A_99 = arith.index_cast %add3A_98 : i32 to index
        %get3A_100 = arith.constant 0 : index
        %get3A_101 = tpu.vector_load %arg8[%get3A_99, %get3A_100] {strides = array<i32>} : memref<256x64xbf16, #tpu.memory_space<vmem>>, vector<32xbf16>,
        %max3A = arith.maximumf %get3A_93, %get3A_101 : vector<32xbf16>
        %add3A_102 = arith.constant 1 : i32
        %add3A_103 = arith.addi %mul3A_91, %add3A_102 : i32
        %get3A_104 = arith.index_cast %add3A_103 : i32 to index
        %get3A_105 = arith.constant 32 : index
        %get3A_106 = tpu.vector_load %arg8[%get3A_104, %get3A_105] {strides = array<i32>} : memref<256x64xbf16, #tpu.memory_space<vmem>>, vector<32xbf16>,
        %max3A_107 = arith.maximumf %get3A_96, %get3A_106 : vector<32xbf16>
        %add3A_108 = arith.constant 2 : i32
        %add3A_109 = arith.addi %mul3A_91, %add3A_108 : i32
        %get3A_110 = arith.index_cast %add3A_109 : i32 to index
        %get3A_111 = arith.constant 0 : index
        %get3A_112 = tpu.vector_load %arg8[%get3A_110, %get3A_111] {strides = array<i32>} : memref<256x64xbf16, #tpu.memory_space<vmem>>, vector<32xbf16>,
        %max3A_113 = arith.maximumf %max3A, %get3A_112 : vector<32xbf16>
        %add3A_114 = arith.constant 2 : i32
        %add3A_115 = arith.addi %mul3A_91, %add3A_114 : i32
        %get3A_116 = arith.index_cast %add3A_115 : i32 to index
        %get3A_117 = arith.constant 32 : index
        %get3A_118 = tpu.vector_load %arg8[%get3A_116, %get3A_117] {strides = array<i32>} : memref<256x64xbf16, #tpu.memory_space<vmem>>, vector<32xbf16>,
        %max3A_119 = arith.maximumf %max3A_107, %get3A_118 : vector<32xbf16>
        %add3A_120 = arith.constant 3 : i32
        %add3A_121 = arith.addi %mul3A_91, %add3A_120 : i32
        %get3A_122 = arith.index_cast %add3A_121 : i32 to index
        %get3A_123 = arith.constant 0 : index
        %get3A_124 = tpu.vector_load %arg8[%get3A_122, %get3A_123] {strides = array<i32>} : memref<256x64xbf16, #tpu.memory_space<vmem>>, vector<32xbf16>,
        %max3A_125 = arith.maximumf %max3A_113, %get3A_124 : vector<32xbf16>
        %add3A_126 = arith.constant 3 : i32
        %add3A_127 = arith.addi %mul3A_91, %add3A_126 : i32
        %get3A_128 = arith.index_cast %add3A_127 : i32 to index
        %get3A_129 = arith.constant 32 : index
        %get3A_130 = tpu.vector_load %arg8[%get3A_128, %get3A_129] {strides = array<i32>} : memref<256x64xbf16, #tpu.memory_space<vmem>>, vector<32xbf16>,
        %max3A_131 = arith.maximumf %max3A_119, %get3A_130 : vector<32xbf16>
        %add3A_132 = arith.constant 4 : i32
        %add3A_133 = arith.addi %mul3A_91, %add3A_132 : i32
        %get3A_134 = arith.index_cast %add3A_133 : i32 to index
        %get3A_135 = arith.constant 0 : index
        %get3A_136 = tpu.vector_load %arg8[%get3A_134, %get3A_135] {strides = array<i32>} : memref<256x64xbf16, #tpu.memory_space<vmem>>, vector<32xbf16>,
        %max3A_137 = arith.maximumf %max3A_125, %get3A_136 : vector<32xbf16>
        %add3A_138 = arith.constant 4 : i32
        %add3A_139 = arith.addi %mul3A_91, %add3A_138 : i32
        %get3A_140 = arith.index_cast %add3A_139 : i32 to index
        %get3A_141 = arith.constant 32 : index
        %get3A_142 = tpu.vector_load %arg8[%get3A_140, %get3A_141] {strides = array<i32>} : memref<256x64xbf16, #tpu.memory_space<vmem>>, vector<32xbf16>,
        %max3A_143 = arith.maximumf %max3A_131, %get3A_142 : vector<32xbf16>
        %add3A_144 = arith.constant 5 : i32
        %add3A_145 = arith.addi %mul3A_91, %add3A_144 : i32
        %get3A_146 = arith.index_cast %add3A_145 : i32 to index
        %get3A_147 = arith.constant 0 : index
        %get3A_148 = tpu.vector_load %arg8[%get3A_146, %get3A_147] {strides = array<i32>} : memref<256x64xbf16, #tpu.memory_space<vmem>>, vector<32xbf16>,
        %max3A_149 = arith.maximumf %max3A_137, %get3A_148 : vector<32xbf16>
        %add3A_150 = arith.constant 5 : i32
        %add3A_151 = arith.addi %mul3A_91, %add3A_150 : i32
        %get3A_152 = arith.index_cast %add3A_151 : i32 to index
        %get3A_153 = arith.constant 32 : index
        %get3A_154 = tpu.vector_load %arg8[%get3A_152, %get3A_153] {strides = array<i32>} : memref<256x64xbf16, #tpu.memory_space<vmem>>, vector<32xbf16>,
        %max3A_155 = arith.maximumf %max3A_143, %get3A_154 : vector<32xbf16>
        %add3A_156 = arith.constant 6 : i32
        %add3A_157 = arith.addi %mul3A_91, %add3A_156 : i32
        %get3A_158 = arith.index_cast %add3A_157 : i32 to index
        %get3A_159 = arith.constant 0 : index
        %get3A_160 = tpu.vector_load %arg8[%get3A_158, %get3A_159] {strides = array<i32>} : memref<256x64xbf16, #tpu.memory_space<vmem>>, vector<32xbf16>,
        %max3A_161 = arith.maximumf %max3A_149, %get3A_160 : vector<32xbf16>
        %add3A_162 = arith.constant 6 : i32
        %add3A_163 = arith.addi %mul3A_91, %add3A_162 : i32
        %get3A_164 = arith.index_cast %add3A_163 : i32 to index
        %get3A_165 = arith.constant 32 : index
        %get3A_166 = tpu.vector_load %arg8[%get3A_164, %get3A_165] {strides = array<i32>} : memref<256x64xbf16, #tpu.memory_space<vmem>>, vector<32xbf16>,
        %max3A_167 = arith.maximumf %max3A_155, %get3A_166 : vector<32xbf16>
        %add3A_168 = arith.constant 7 : i32
        %add3A_169 = arith.addi %mul3A_91, %add3A_168 : i32
        %get3A_170 = arith.index_cast %add3A_169 : i32 to index
        %get3A_171 = arith.constant 0 : index
        %get3A_172 = tpu.vector_load %arg8[%get3A_170, %get3A_171] {strides = array<i32>} : memref<256x64xbf16, #tpu.memory_space<vmem>>, vector<32xbf16>,
        %max3A_173 = arith.maximumf %max3A_161, %get3A_172 : vector<32xbf16>
        %add3A_174 = arith.constant 7 : i32
        %add3A_175 = arith.addi %mul3A_91, %add3A_174 : i32
        %get3A_176 = arith.index_cast %add3A_175 : i32 to index
        %get3A_177 = arith.constant 32 : index
        %get3A_178 = tpu.vector_load %arg8[%get3A_176, %get3A_177] {strides = array<i32>} : memref<256x64xbf16, #tpu.memory_space<vmem>>, vector<32xbf16>,
        %max3A_179 = arith.maximumf %max3A_167, %get3A_178 : vector<32xbf16>
        %add3A_180 = arith.constant 8 : i32
        %add3A_181 = arith.addi %mul3A_91, %add3A_180 : i32
        %get3A_182 = arith.index_cast %add3A_181 : i32 to index
        %get3A_183 = arith.constant 0 : index
        %get3A_184 = tpu.vector_load %arg8[%get3A_182, %get3A_183] {strides = array<i32>} : memref<256x64xbf16, #tpu.memory_space<vmem>>, vector<32xbf16>,
        %max3A_185 = arith.maximumf %max3A_173, %get3A_184 : vector<32xbf16>
        %add3A_186 = arith.constant 8 : i32
        %add3A_187 = arith.addi %mul3A_91, %add3A_186 : i32
        %get3A_188 = arith.index_cast %add3A_187 : i32 to index
        %get3A_189 = arith.constant 32 : index
        %get3A_190 = tpu.vector_load %arg8[%get3A_188, %get3A_189] {strides = array<i32>} : memref<256x64xbf16, #tpu.memory_space<vmem>>, vector<32xbf16>,
        %max3A_191 = arith.maximumf %max3A_179, %get3A_190 : vector<32xbf16>
        %add3A_192 = arith.constant 9 : i32
        %add3A_193 = arith.addi %mul3A_91, %add3A_192 : i32
        %get3A_194 = arith.index_cast %add3A_193 : i32 to index
        %get3A_195 = arith.constant 0 : index
        %get3A_196 = tpu.vector_load %arg8[%get3A_194, %get3A_195] {strides = array<i32>} : memref<256x64xbf16, #tpu.memory_space<vmem>>, vector<32xbf16>,
        %max3A_197 = arith.maximumf %max3A_185, %get3A_196 : vector<32xbf16>
        %add3A_198 = arith.constant 9 : i32
        %add3A_199 = arith.addi %mul3A_91, %add3A_198 : i32
        %get3A_200 = arith.index_cast %add3A_199 : i32 to index
        %get3A_201 = arith.constant 32 : index
        %get3A_202 = tpu.vector_load %arg8[%get3A_200, %get3A_201] {strides = array<i32>} : memref<256x64xbf16, #tpu.memory_space<vmem>>, vector<32xbf16>,
        %max3A_203 = arith.maximumf %max3A_191, %get3A_202 : vector<32xbf16>
        %add3A_204 = arith.constant 10 : i32
        %add3A_205 = arith.addi %mul3A_91, %add3A_204 : i32
        %get3A_206 = arith.index_cast %add3A_205 : i32 to index
        %get3A_207 = arith.constant 0 : index
        %get3A_208 = tpu.vector_load %arg8[%get3A_206, %get3A_207] {strides = array<i32>} : memref<256x64xbf16, #tpu.memory_space<vmem>>, vector<32xbf16>,
        %max3A_209 = arith.maximumf %max3A_197, %get3A_208 : vector<32xbf16>
        %add3A_210 = arith.constant 10 : i32
        %add3A_211 = arith.addi %mul3A_91, %add3A_210 : i32
        %get3A_212 = arith.index_cast %add3A_211 : i32 to index
        %get3A_213 = arith.constant 32 : index
        %get3A_214 = tpu.vector_load %arg8[%get3A_212, %get3A_213] {strides = array<i32>} : memref<256x64xbf16, #tpu.memory_space<vmem>>, vector<32xbf16>,
        %max3A_215 = arith.maximumf %max3A_203, %get3A_214 : vector<32xbf16>
        %add3A_216 = arith.constant 11 : i32
        %add3A_217 = arith.addi %mul3A_91, %add3A_216 : i32
        %get3A_218 = arith.index_cast %add3A_217 : i32 to index
        %get3A_219 = arith.constant 0 : index
        %get3A_220 = tpu.vector_load %arg8[%get3A_218, %get3A_219] {strides = array<i32>} : memref<256x64xbf16, #tpu.memory_space<vmem>>, vector<32xbf16>,
        %max3A_221 = arith.maximumf %max3A_209, %get3A_220 : vector<32xbf16>
        %add3A_222 = arith.constant 11 : i32
        %add3A_223 = arith.addi %mul3A_91, %add3A_222 : i32
        %get3A_224 = arith.index_cast %add3A_223 : i32 to index
        %get3A_225 = arith.constant 32 : index
        %get3A_226 = tpu.vector_load %arg8[%get3A_224, %get3A_225] {strides = array<i32>} : memref<256x64xbf16, #tpu.memory_space<vmem>>, vector<32xbf16>,
        %max3A_227 = arith.maximumf %max3A_215, %get3A_226 : vector<32xbf16>
        %add3A_228 = arith.constant 12 : i32
        %add3A_229 = arith.addi %mul3A_91, %add3A_228 : i32
        %get3A_230 = arith.index_cast %add3A_229 : i32 to index
        %get3A_231 = arith.constant 0 : index
        %get3A_232 = tpu.vector_load %arg8[%get3A_230, %get3A_231] {strides = array<i32>} : memref<256x64xbf16, #tpu.memory_space<vmem>>, vector<32xbf16>,
        %max3A_233 = arith.maximumf %max3A_221, %get3A_232 : vector<32xbf16>
        %add3A_234 = arith.constant 12 : i32
        %add3A_235 = arith.addi %mul3A_91, %add3A_234 : i32
        %get3A_236 = arith.index_cast %add3A_235 : i32 to index
        %get3A_237 = arith.constant 32 : index
        %get3A_238 = tpu.vector_load %arg8[%get3A_236, %get3A_237] {strides = array<i32>} : memref<256x64xbf16, #tpu.memory_space<vmem>>, vector<32xbf16>,
        %max3A_239 = arith.maximumf %max3A_227, %get3A_238 : vector<32xbf16>
        %add3A_240 = arith.constant 13 : i32
        %add3A_241 = arith.addi %mul3A_91, %add3A_240 : i32
        %get3A_242 = arith.index_cast %add3A_241 : i32 to index
        %get3A_243 = arith.constant 0 : index
        %get3A_244 = tpu.vector_load %arg8[%get3A_242, %get3A_243] {strides = array<i32>} : memref<256x64xbf16, #tpu.memory_space<vmem>>, vector<32xbf16>,
        %max3A_245 = arith.maximumf %max3A_233, %get3A_244 : vector<32xbf16>
        %add3A_246 = arith.constant 13 : i32
        %add3A_247 = arith.addi %mul3A_91, %add3A_246 : i32
        %get3A_248 = arith.index_cast %add3A_247 : i32 to index
        %get3A_249 = arith.constant 32 : index
        %get3A_250 = tpu.vector_load %arg8[%get3A_248, %get3A_249] {strides = array<i32>} : memref<256x64xbf16, #tpu.memory_space<vmem>>, vector<32xbf16>,
        %max3A_251 = arith.maximumf %max3A_239, %get3A_250 : vector<32xbf16>
        %add3A_252 = arith.constant 14 : i32
        %add3A_253 = arith.addi %mul3A_91, %add3A_252 : i32
        %get3A_254 = arith.index_cast %add3A_253 : i32 to index
        %get3A_255 = arith.constant 0 : index
        %get3A_256 = tpu.vector_load %arg8[%get3A_254, %get3A_255] {strides = array<i32>} : memref<256x64xbf16, #tpu.memory_space<vmem>>, vector<32xbf16>,
        %max3A_257 = arith.maximumf %max3A_245, %get3A_256 : vector<32xbf16>
        %add3A_258 = arith.constant 14 : i32
        %add3A_259 = arith.addi %mul3A_91, %add3A_258 : i32
        %get3A_260 = arith.index_cast %add3A_259 : i32 to index
        %get3A_261 = arith.constant 32 : index
        %get3A_262 = tpu.vector_load %arg8[%get3A_260, %get3A_261] {strides = array<i32>} : memref<256x64xbf16, #tpu.memory_space<vmem>>, vector<32xbf16>,
        %max3A_263 = arith.maximumf %max3A_251, %get3A_262 : vector<32xbf16>
        %add3A_264 = arith.constant 15 : i32
        %add3A_265 = arith.addi %mul3A_91, %add3A_264 : i32
        %get3A_266 = arith.index_cast %add3A_265 : i32 to index
        %get3A_267 = arith.constant 0 : index
        %get3A_268 = tpu.vector_load %arg8[%get3A_266, %get3A_267] {strides = array<i32>} : memref<256x64xbf16, #tpu.memory_space<vmem>>, vector<32xbf16>,
        %max3A_269 = arith.maximumf %max3A_257, %get3A_268 : vector<32xbf16>
        %add3A_270 = arith.constant 15 : i32
        %add3A_271 = arith.addi %mul3A_91, %add3A_270 : i32
        %get3A_272 = arith.index_cast %add3A_271 : i32 to index
        %get3A_273 = arith.constant 32 : index
        %get3A_274 = tpu.vector_load %arg8[%get3A_272, %get3A_273] {strides = array<i32>} : memref<256x64xbf16, #tpu.memory_space<vmem>>, vector<32xbf16>,
        %max3A_275 = arith.maximumf %max3A_263, %get3A_274 : vector<32xbf16>
        %add3A_276 = arith.constant 16 : i32
        %add3A_277 = arith.addi %mul3A_91, %add3A_276 : i32
        %get3A_278 = arith.index_cast %add3A_277 : i32 to index
        %get3A_279 = arith.constant 0 : index
        %get3A_280 = tpu.vector_load %arg8[%get3A_278, %get3A_279] {strides = array<i32>} : memref<256x64xbf16, #tpu.memory_space<vmem>>, vector<32xbf16>,
        %max3A_281 = arith.maximumf %max3A_269, %get3A_280 : vector<32xbf16>
        %add3A_282 = arith.constant 16 : i32
        %add3A_283 = arith.addi %mul3A_91, %add3A_282 : i32
        %get3A_284 = arith.index_cast %add3A_283 : i32 to index
        %get3A_285 = arith.constant 32 : index
        %get3A_286 = tpu.vector_load %arg8[%get3A_284, %get3A_285] {strides = array<i32>} : memref<256x64xbf16, #tpu.memory_space<vmem>>, vector<32xbf16>,
        %max3A_287 = arith.maximumf %max3A_275, %get3A_286 : vector<32xbf16>
        %add3A_288 = arith.constant 17 : i32
        %add3A_289 = arith.addi %mul3A_91, %add3A_288 : i32
        %get3A_290 = arith.index_cast %add3A_289 : i32 to index
        %get3A_291 = arith.constant 0 : index
        %get3A_292 = tpu.vector_load %arg8[%get3A_290, %get3A_291] {strides = array<i32>} : memref<256x64xbf16, #tpu.memory_space<vmem>>, vector<32xbf16>,
        %max3A_293 = arith.maximumf %max3A_281, %get3A_292 : vector<32xbf16>
        %add3A_294 = arith.constant 17 : i32
        %add3A_295 = arith.addi %mul3A_91, %add3A_294 : i32
        %get3A_296 = arith.index_cast %add3A_295 : i32 to index
        %get3A_297 = arith.constant 32 : index
        %get3A_298 = tpu.vector_load %arg8[%get3A_296, %get3A_297] {strides = array<i32>} : memref<256x64xbf16, #tpu.memory_space<vmem>>, vector<32xbf16>,
        %max3A_299 = arith.maximumf %max3A_287, %get3A_298 : vector<32xbf16>
        %add3A_300 = arith.constant 18 : i32
        %add3A_301 = arith.addi %mul3A_91, %add3A_300 : i32
        %get3A_302 = arith.index_cast %add3A_301 : i32 to index
        %get3A_303 = arith.constant 0 : index
        %get3A_304 = tpu.vector_load %arg8[%get3A_302, %get3A_303] {strides = array<i32>} : memref<256x64xbf16, #tpu.memory_space<vmem>>, vector<32xbf16>,
        %max3A_305 = arith.maximumf %max3A_293, %get3A_304 : vector<32xbf16>
        %add3A_306 = arith.constant 18 : i32
        %add3A_307 = arith.addi %mul3A_91, %add3A_306 : i32
        %get3A_308 = arith.index_cast %add3A_307 : i32 to index
        %get3A_309 = arith.constant 32 : index
        %get3A_310 = tpu.vector_load %arg8[%get3A_308, %get3A_309] {strides = array<i32>} : memref<256x64xbf16, #tpu.memory_space<vmem>>, vector<32xbf16>,
        %max3A_311 = arith.maximumf %max3A_299, %get3A_310 : vector<32xbf16>
        %add3A_312 = arith.constant 19 : i32
        %add3A_313 = arith.addi %mul3A_91, %add3A_312 : i32
        %get3A_314 = arith.index_cast %add3A_313 : i32 to index
        %get3A_315 = arith.constant 0 : index
        %get3A_316 = tpu.vector_load %arg8[%get3A_314, %get3A_315] {strides = array<i32>} : memref<256x64xbf16, #tpu.memory_space<vmem>>, vector<32xbf16>,
        %max3A_317 = arith.maximumf %max3A_305, %get3A_316 : vector<32xbf16>
        %add3A_318 = arith.constant 19 : i32
        %add3A_319 = arith.addi %mul3A_91, %add3A_318 : i32
        %get3A_320 = arith.index_cast %add3A_319 : i32 to index
        %get3A_321 = arith.constant 32 : index
        %get3A_322 = tpu.vector_load %arg8[%get3A_320, %get3A_321] {strides = array<i32>} : memref<256x64xbf16, #tpu.memory_space<vmem>>, vector<32xbf16>,
        %max3A_323 = arith.maximumf %max3A_311, %get3A_322 : vector<32xbf16>
        %add3A_324 = arith.constant 20 : i32
        %add3A_325 = arith.addi %mul3A_91, %add3A_324 : i32
        %get3A_326 = arith.index_cast %add3A_325 : i32 to index
        %get3A_327 = arith.constant 0 : index
        %get3A_328 = tpu.vector_load %arg8[%get3A_326, %get3A_327] {strides = array<i32>} : memref<256x64xbf16, #tpu.memory_space<vmem>>, vector<32xbf16>,
        %max3A_329 = arith.maximumf %max3A_317, %get3A_328 : vector<32xbf16>
        %add3A_330 = arith.constant 20 : i32
        %add3A_331 = arith.addi %mul3A_91, %add3A_330 : i32
        %get3A_332 = arith.index_cast %add3A_331 : i32 to index
        %get3A_333 = arith.constant 32 : index
        %get3A_334 = tpu.vector_load %arg8[%get3A_332, %get3A_333] {strides = array<i32>} : memref<256x64xbf16, #tpu.memory_space<vmem>>, vector<32xbf16>,
        %max3A_335 = arith.maximumf %max3A_323, %get3A_334 : vector<32xbf16>
        %add3A_336 = arith.constant 21 : i32
        %add3A_337 = arith.addi %mul3A_91, %add3A_336 : i32
        %get3A_338 = arith.index_cast %add3A_337 : i32 to index
        %get3A_339 = arith.constant 0 : index
        %get3A_340 = tpu.vector_load %arg8[%get3A_338, %get3A_339] {strides = array<i32>} : memref<256x64xbf16, #tpu.memory_space<vmem>>, vector<32xbf16>,
        %max3A_341 = arith.maximumf %max3A_329, %get3A_340 : vector<32xbf16>
        %add3A_342 = arith.constant 21 : i32
        %add3A_343 = arith.addi %mul3A_91, %add3A_342 : i32
        %get3A_344 = arith.index_cast %add3A_343 : i32 to index
        %get3A_345 = arith.constant 32 : index
        %get3A_346 = tpu.vector_load %arg8[%get3A_344, %get3A_345] {strides = array<i32>} : memref<256x64xbf16, #tpu.memory_space<vmem>>, vector<32xbf16>,
        %max3A_347 = arith.maximumf %max3A_335, %get3A_346 : vector<32xbf16>
        %add3A_348 = arith.constant 22 : i32
        %add3A_349 = arith.addi %mul3A_91, %add3A_348 : i32
        %get3A_350 = arith.index_cast %add3A_349 : i32 to index
        %get3A_351 = arith.constant 0 : index
        %get3A_352 = tpu.vector_load %arg8[%get3A_350, %get3A_351] {strides = array<i32>} : memref<256x64xbf16, #tpu.memory_space<vmem>>, vector<32xbf16>,
        %max3A_353 = arith.maximumf %max3A_341, %get3A_352 : vector<32xbf16>
        %add3A_354 = arith.constant 22 : i32
        %add3A_355 = arith.addi %mul3A_91, %add3A_354 : i32
        %get3A_356 = arith.index_cast %add3A_355 : i32 to index
        %get3A_357 = arith.constant 32 : index
        %get3A_358 = tpu.vector_load %arg8[%get3A_356, %get3A_357] {strides = array<i32>} : memref<256x64xbf16, #tpu.memory_space<vmem>>, vector<32xbf16>,
        %max3A_359 = arith.maximumf %max3A_347, %get3A_358 : vector<32xbf16>
        %add3A_360 = arith.constant 23 : i32
        %add3A_361 = arith.addi %mul3A_91, %add3A_360 : i32
        %get3A_362 = arith.index_cast %add3A_361 : i32 to index
        %get3A_363 = arith.constant 0 : index
        %get3A_364 = tpu.vector_load %arg8[%get3A_362, %get3A_363] {strides = array<i32>} : memref<256x64xbf16, #tpu.memory_space<vmem>>, vector<32xbf16>,
        %max3A_365 = arith.maximumf %max3A_353, %get3A_364 : vector<32xbf16>
        %add3A_366 = arith.constant 23 : i32
        %add3A_367 = arith.addi %mul3A_91, %add3A_366 : i32
        %get3A_368 = arith.index_cast %add3A_367 : i32 to index
        %get3A_369 = arith.constant 32 : index
        %get3A_370 = tpu.vector_load %arg8[%get3A_368, %get3A_369] {strides = array<i32>} : memref<256x64xbf16, #tpu.memory_space<vmem>>, vector<32xbf16>,
        %max3A_371 = arith.maximumf %max3A_359, %get3A_370 : vector<32xbf16>
        %add3A_372 = arith.constant 24 : i32
        %add3A_373 = arith.addi %mul3A_91, %add3A_372 : i32
        %get3A_374 = arith.index_cast %add3A_373 : i32 to index
        %get3A_375 = arith.constant 0 : index
        %get3A_376 = tpu.vector_load %arg8[%get3A_374, %get3A_375] {strides = array<i32>} : memref<256x64xbf16, #tpu.memory_space<vmem>>, vector<32xbf16>,
        %max3A_377 = arith.maximumf %max3A_365, %get3A_376 : vector<32xbf16>
        %add3A_378 = arith.constant 24 : i32
        %add3A_379 = arith.addi %mul3A_91, %add3A_378 : i32
        %get3A_380 = arith.index_cast %add3A_379 : i32 to index
        %get3A_381 = arith.constant 32 : index
        %get3A_382 = tpu.vector_load %arg8[%get3A_380, %get3A_381] {strides = array<i32>} : memref<256x64xbf16, #tpu.memory_space<vmem>>, vector<32xbf16>,
        %max3A_383 = arith.maximumf %max3A_371, %get3A_382 : vector<32xbf16>
        %add3A_384 = arith.constant 25 : i32
        %add3A_385 = arith.addi %mul3A_91, %add3A_384 : i32
        %get3A_386 = arith.index_cast %add3A_385 : i32 to index
        %get3A_387 = arith.constant 0 : index
        %get3A_388 = tpu.vector_load %arg8[%get3A_386, %get3A_387] {strides = array<i32>} : memref<256x64xbf16, #tpu.memory_space<vmem>>, vector<32xbf16>,
        %max3A_389 = arith.maximumf %max3A_377, %get3A_388 : vector<32xbf16>
        %add3A_390 = arith.constant 25 : i32
        %add3A_391 = arith.addi %mul3A_91, %add3A_390 : i32
        %get3A_392 = arith.index_cast %add3A_391 : i32 to index
        %get3A_393 = arith.constant 32 : index
        %get3A_394 = tpu.vector_load %arg8[%get3A_392, %get3A_393] {strides = array<i32>} : memref<256x64xbf16, #tpu.memory_space<vmem>>, vector<32xbf16>,
        %max3A_395 = arith.maximumf %max3A_383, %get3A_394 : vector<32xbf16>
        %add3A_396 = arith.constant 26 : i32
        %add3A_397 = arith.addi %mul3A_91, %add3A_396 : i32
        %get3A_398 = arith.index_cast %add3A_397 : i32 to index
        %get3A_399 = arith.constant 0 : index
        %get3A_400 = tpu.vector_load %arg8[%get3A_398, %get3A_399] {strides = array<i32>} : memref<256x64xbf16, #tpu.memory_space<vmem>>, vector<32xbf16>,
        %max3A_401 = arith.maximumf %max3A_389, %get3A_400 : vector<32xbf16>
        %add3A_402 = arith.constant 26 : i32
        %add3A_403 = arith.addi %mul3A_91, %add3A_402 : i32
        %get3A_404 = arith.index_cast %add3A_403 : i32 to index
        %get3A_405 = arith.constant 32 : index
        %get3A_406 = tpu.vector_load %arg8[%get3A_404, %get3A_405] {strides = array<i32>} : memref<256x64xbf16, #tpu.memory_space<vmem>>, vector<32xbf16>,
        %max3A_407 = arith.maximumf %max3A_395, %get3A_406 : vector<32xbf16>
        %add3A_408 = arith.constant 27 : i32
        %add3A_409 = arith.addi %mul3A_91, %add3A_408 : i32
        %get3A_410 = arith.index_cast %add3A_409 : i32 to index
        %get3A_411 = arith.constant 0 : index
        %get3A_412 = tpu.vector_load %arg8[%get3A_410, %get3A_411] {strides = array<i32>} : memref<256x64xbf16, #tpu.memory_space<vmem>>, vector<32xbf16>,
        %max3A_413 = arith.maximumf %max3A_401, %get3A_412 : vector<32xbf16>
        %add3A_414 = arith.constant 27 : i32
        %add3A_415 = arith.addi %mul3A_91, %add3A_414 : i32
        %get3A_416 = arith.index_cast %add3A_415 : i32 to index
        %get3A_417 = arith.constant 32 : index
        %get3A_418 = tpu.vector_load %arg8[%get3A_416, %get3A_417] {strides = array<i32>} : memref<256x64xbf16, #tpu.memory_space<vmem>>, vector<32xbf16>,
        %max3A_419 = arith.maximumf %max3A_407, %get3A_418 : vector<32xbf16>
        %add3A_420 = arith.constant 28 : i32
        %add3A_421 = arith.addi %mul3A_91, %add3A_420 : i32
        %get3A_422 = arith.index_cast %add3A_421 : i32 to index
        %get3A_423 = arith.constant 0 : index
        %get3A_424 = tpu.vector_load %arg8[%get3A_422, %get3A_423] {strides = array<i32>} : memref<256x64xbf16, #tpu.memory_space<vmem>>, vector<32xbf16>,
        %max3A_425 = arith.maximumf %max3A_413, %get3A_424 : vector<32xbf16>
        %add3A_426 = arith.constant 28 : i32
        %add3A_427 = arith.addi %mul3A_91, %add3A_426 : i32
        %get3A_428 = arith.index_cast %add3A_427 : i32 to index
        %get3A_429 = arith.constant 32 : index
        %get3A_430 = tpu.vector_load %arg8[%get3A_428, %get3A_429] {strides = array<i32>} : memref<256x64xbf16, #tpu.memory_space<vmem>>, vector<32xbf16>,
        %max3A_431 = arith.maximumf %max3A_419, %get3A_430 : vector<32xbf16>
        %add3A_432 = arith.constant 29 : i32
        %add3A_433 = arith.addi %mul3A_91, %add3A_432 : i32
        %get3A_434 = arith.index_cast %add3A_433 : i32 to index
        %get3A_435 = arith.constant 0 : index
        %get3A_436 = tpu.vector_load %arg8[%get3A_434, %get3A_435] {strides = array<i32>} : memref<256x64xbf16, #tpu.memory_space<vmem>>, vector<32xbf16>,
        %max3A_437 = arith.maximumf %max3A_425, %get3A_436 : vector<32xbf16>
        %add3A_438 = arith.constant 29 : i32
        %add3A_439 = arith.addi %mul3A_91, %add3A_438 : i32
        %get3A_440 = arith.index_cast %add3A_439 : i32 to index
        %get3A_441 = arith.constant 32 : index
        %get3A_442 = tpu.vector_load %arg8[%get3A_440, %get3A_441] {strides = array<i32>} : memref<256x64xbf16, #tpu.memory_space<vmem>>, vector<32xbf16>,
        %max3A_443 = arith.maximumf %max3A_431, %get3A_442 : vector<32xbf16>
        %add3A_444 = arith.constant 30 : i32
        %add3A_445 = arith.addi %mul3A_91, %add3A_444 : i32
        %get3A_446 = arith.index_cast %add3A_445 : i32 to index
        %get3A_447 = arith.constant 0 : index
        %get3A_448 = tpu.vector_load %arg8[%get3A_446, %get3A_447] {strides = array<i32>} : memref<256x64xbf16, #tpu.memory_space<vmem>>, vector<32xbf16>,
        %max3A_449 = arith.maximumf %max3A_437, %get3A_448 : vector<32xbf16>
        %add3A_450 = arith.constant 30 : i32
        %add3A_451 = arith.addi %mul3A_91, %add3A_450 : i32
        %get3A_452 = arith.index_cast %add3A_451 : i32 to index
        %get3A_453 = arith.constant 32 : index
        %get3A_454 = tpu.vector_load %arg8[%get3A_452, %get3A_453] {strides = array<i32>} : memref<256x64xbf16, #tpu.memory_space<vmem>>, vector<32xbf16>,
        %max3A_455 = arith.maximumf %max3A_443, %get3A_454 : vector<32xbf16>
        %add3A_456 = arith.constant 31 : i32
        %add3A_457 = arith.addi %mul3A_91, %add3A_456 : i32
        %get3A_458 = arith.index_cast %add3A_457 : i32 to index
        %get3A_459 = arith.constant 0 : index
        %get3A_460 = tpu.vector_load %arg8[%get3A_458, %get3A_459] {strides = array<i32>} : memref<256x64xbf16, #tpu.memory_space<vmem>>, vector<32xbf16>,
        %max3A_461 = arith.maximumf %max3A_449, %get3A_460 : vector<32xbf16>
        %add3A_462 = arith.constant 31 : i32
        %add3A_463 = arith.addi %mul3A_91, %add3A_462 : i32
        %get3A_464 = arith.index_cast %add3A_463 : i32 to index
        %get3A_465 = arith.constant 32 : index
        %get3A_466 = tpu.vector_load %arg8[%get3A_464, %get3A_465] {strides = array<i32>} : memref<256x64xbf16, #tpu.memory_space<vmem>>, vector<32xbf16>,
        %max3A_467 = arith.maximumf %max3A_455, %get3A_466 : vector<32xbf16>
        %mul3A_468 = arith.constant 8 : i32
        %mul3A_469 = arith.muli %add3A_46, %mul3A_468 : i32
        %add3A_470 = arith.addi %mul3A_469, %scan3A_88 : i32
        %swap3A = arith.index_cast %add3A_470 : i32 to index
        %swap3A_471 = arith.constant 0 : index
        %swap3A_472 = tpu.vector_load %arg10[%swap3A, %swap3A_471] {strides = array<i32>} : memref<320x64xbf16, #tpu.memory_space<vmem>>, vector<32xbf16>,
        tpu.vector_store %arg10[%swap3A, %swap3A_471], %max3A_461 {strides = array<i32>} : memref<320x64xbf16, #tpu.memory_space<vmem>>, vector<32xbf16>,
        %swap3A_473 = arith.index_cast %add3A_470 : i32 to index
        %swap3A_474 = arith.constant 32 : index
        %swap3A_475 = tpu.vector_load %arg10[%swap3A_473, %swap3A_474] {strides = array<i32>} : memref<320x64xbf16, #tpu.memory_space<vmem>>, vector<32xbf16>,
        tpu.vector_store %arg10[%swap3A_473, %swap3A_474], %max3A_467 {strides = array<i32>} : memref<320x64xbf16, #tpu.memory_space<vmem>>, vector<32xbf16>,
        %scan3A_476 = arith.constant 0 : i32
        scf.yield %scan3A_476 : i32
      }
      %scan3A_58 = arith.constant 8 : i32
      %add3A_59 = arith.constant 2 : i32
      %add3A_60 = arith.addi %add3A_46, %add3A_59 : i32
      %lt3A = arith.constant 40 : i32
      %lt3A_61 = arith.cmpi slt, %add3A_60, %lt3A : i32
      %convert_element_type3A = arith.extui %lt3A_61 : i1 to i32
      %cond3A = arith.constant 0 : i32
      %cond3A_62 = arith.cmpi ne, %convert_element_type3A, %cond3A : i32
      scf.if %cond3A_62 {
        %add3A_88 = arith.constant 2 : i32
        %add3A_89 = arith.addi %add3A_46, %add3A_88 : i32
        %dma_start3A_90 = arith.constant 0 : i32
        %dma_start3A_91 = tpu.memref_slice %arg6[%add3A_89, %dma_start3A_90] : memref<40x256xi32, #tpu.memory_space<vmem>> -> memref<1x256xi32, #tpu.memory_space<vmem>>
        %dma_start3A_92 = tpu.memref_squeeze %dma_start3A_91 : memref<1x256xi32, #tpu.memory_space<vmem>> -> memref<256xi32, #tpu.memory_space<vmem>>
        %dma_start3A_93 = arith.constant 0 : i32
        %dma_start3A_94 = arith.constant 0 : i32
        %dma_start3A_95 = tpu.memref_slice %arg7[%dma_start3A_93, %dma_start3A_94] : memref<10000x64xbf16, #tpu.memory_space<vmem_shared>> -> memref<10000x64xbf16, #tpu.memory_space<vmem_shared>>
        tpu.enqueue_indirect_dma source(%dma_start3A_95 : memref<10000x64xbf16, #tpu.memory_space<vmem_shared>>) target(%arg8 : memref<256x64xbf16, #tpu.memory_space<vmem>>) offsets(%dma_start3A_92 : memref<256xi32, #tpu.memory_space<vmem>>) semaphore(%arg12 : memref<!tpu.dma_semaphore, #tpu.memory_space<semaphore_mem>>)
      } else {
      }
      %mul3A_63 = arith.constant 2 : i32
      %mul3A_64 = arith.muli %mul3A_63, %scan3A_41 : i32
      %add3A_65 = arith.constant 1 : i32
      %add3A_66 = arith.addi %mul3A_64, %add3A_65 : i32
      %dma_wait3A_67 = arith.constant 0 : i32
      %dma_wait3A_68 = tpu.memref_slice %arg6[%add3A_66, %dma_wait3A_67] : memref<40x256xi32, #tpu.memory_space<vmem>> -> memref<1x256xi32, #tpu.memory_space<vmem>>
      %dma_wait3A_69 = tpu.memref_squeeze %dma_wait3A_68 : memref<1x256xi32, #tpu.memory_space<vmem>> -> memref<256xi32, #tpu.memory_space<vmem>>
      %dma_wait3A_70 = arith.constant 0 : i32
      %dma_wait3A_71 = arith.constant 0 : i32
      %dma_wait3A_72 = tpu.memref_slice %arg7[%dma_wait3A_70, %dma_wait3A_71] : memref<10000x64xbf16, #tpu.memory_space<vmem_shared>> -> memref<10000x64xbf16, #tpu.memory_space<vmem_shared>>
      tpu.wait_indirect_dma semaphore(%arg13 : memref<!tpu.dma_semaphore, #tpu.memory_space<semaphore_mem>>) src(%dma_wait3A_72 : memref<10000x64xbf16, #tpu.memory_space<vmem_shared>>) dst(%arg9 : memref<256x64xbf16, #tpu.memory_space<vmem>>)
      %scan3A_73 = arith.constant 0 : i32
      %scan3A_74 = arith.constant 0 : i32
      %scan3A_75 = arith.constant 8 : i32
      %scan3A_76 = arith.addi %scan3A_74, %scan3A_75 : i32
      %scan3A_77 = arith.constant 1 : i32
      %scan3A_78 = scf.for %scan3A_88 = %scan3A_74 to %scan3A_76 step %scan3A_77 iter_args(%scan3A_89 = %scan3A_73) -> (i32)  : i32 {
        %mul3A_90 = arith.constant 32 : i32
        %mul3A_91 = arith.muli %mul3A_90, %scan3A_88 : i32
        %get3A = arith.index_cast %mul3A_91 : i32 to index
        %get3A_92 = arith.constant 0 : index
        %get3A_93 = tpu.vector_load %arg9[%get3A, %get3A_92] {strides = array<i32>} : memref<256x64xbf16, #tpu.memory_space<vmem>>, vector<32xbf16>,
        %get3A_94 = arith.index_cast %mul3A_91 : i32 to index
        %get3A_95 = arith.constant 32 : index
        %get3A_96 = tpu.vector_load %arg9[%get3A_94, %get3A_95] {strides = array<i32>} : memref<256x64xbf16, #tpu.memory_space<vmem>>, vector<32xbf16>,
        %add3A_97 = arith.constant 1 : i32
        %add3A_98 = arith.addi %mul3A_91, %add3A_97 : i32
        %get3A_99 = arith.index_cast %add3A_98 : i32 to index
        %get3A_100 = arith.constant 0 : index
        %get3A_101 = tpu.vector_load %arg9[%get3A_99, %get3A_100] {strides = array<i32>} : memref<256x64xbf16, #tpu.memory_space<vmem>>, vector<32xbf16>,
        %max3A = arith.maximumf %get3A_93, %get3A_101 : vector<32xbf16>
        %add3A_102 = arith.constant 1 : i32
        %add3A_103 = arith.addi %mul3A_91, %add3A_102 : i32
        %get3A_104 = arith.index_cast %add3A_103 : i32 to index
        %get3A_105 = arith.constant 32 : index
        %get3A_106 = tpu.vector_load %arg9[%get3A_104, %get3A_105] {strides = array<i32>} : memref<256x64xbf16, #tpu.memory_space<vmem>>, vector<32xbf16>,
        %max3A_107 = arith.maximumf %get3A_96, %get3A_106 : vector<32xbf16>
        %add3A_108 = arith.constant 2 : i32
        %add3A_109 = arith.addi %mul3A_91, %add3A_108 : i32
        %get3A_110 = arith.index_cast %add3A_109 : i32 to index
        %get3A_111 = arith.constant 0 : index
        %get3A_112 = tpu.vector_load %arg9[%get3A_110, %get3A_111] {strides = array<i32>} : memref<256x64xbf16, #tpu.memory_space<vmem>>, vector<32xbf16>,
        %max3A_113 = arith.maximumf %max3A, %get3A_112 : vector<32xbf16>
        %add3A_114 = arith.constant 2 : i32
        %add3A_115 = arith.addi %mul3A_91, %add3A_114 : i32
        %get3A_116 = arith.index_cast %add3A_115 : i32 to index
        %get3A_117 = arith.constant 32 : index
        %get3A_118 = tpu.vector_load %arg9[%get3A_116, %get3A_117] {strides = array<i32>} : memref<256x64xbf16, #tpu.memory_space<vmem>>, vector<32xbf16>,
        %max3A_119 = arith.maximumf %max3A_107, %get3A_118 : vector<32xbf16>
        %add3A_120 = arith.constant 3 : i32
        %add3A_121 = arith.addi %mul3A_91, %add3A_120 : i32
        %get3A_122 = arith.index_cast %add3A_121 : i32 to index
        %get3A_123 = arith.constant 0 : index
        %get3A_124 = tpu.vector_load %arg9[%get3A_122, %get3A_123] {strides = array<i32>} : memref<256x64xbf16, #tpu.memory_space<vmem>>, vector<32xbf16>,
        %max3A_125 = arith.maximumf %max3A_113, %get3A_124 : vector<32xbf16>
        %add3A_126 = arith.constant 3 : i32
        %add3A_127 = arith.addi %mul3A_91, %add3A_126 : i32
        %get3A_128 = arith.index_cast %add3A_127 : i32 to index
        %get3A_129 = arith.constant 32 : index
        %get3A_130 = tpu.vector_load %arg9[%get3A_128, %get3A_129] {strides = array<i32>} : memref<256x64xbf16, #tpu.memory_space<vmem>>, vector<32xbf16>,
        %max3A_131 = arith.maximumf %max3A_119, %get3A_130 : vector<32xbf16>
        %add3A_132 = arith.constant 4 : i32
        %add3A_133 = arith.addi %mul3A_91, %add3A_132 : i32
        %get3A_134 = arith.index_cast %add3A_133 : i32 to index
        %get3A_135 = arith.constant 0 : index
        %get3A_136 = tpu.vector_load %arg9[%get3A_134, %get3A_135] {strides = array<i32>} : memref<256x64xbf16, #tpu.memory_space<vmem>>, vector<32xbf16>,
        %max3A_137 = arith.maximumf %max3A_125, %get3A_136 : vector<32xbf16>
        %add3A_138 = arith.constant 4 : i32
        %add3A_139 = arith.addi %mul3A_91, %add3A_138 : i32
        %get3A_140 = arith.index_cast %add3A_139 : i32 to index
        %get3A_141 = arith.constant 32 : index
        %get3A_142 = tpu.vector_load %arg9[%get3A_140, %get3A_141] {strides = array<i32>} : memref<256x64xbf16, #tpu.memory_space<vmem>>, vector<32xbf16>,
        %max3A_143 = arith.maximumf %max3A_131, %get3A_142 : vector<32xbf16>
        %add3A_144 = arith.constant 5 : i32
        %add3A_145 = arith.addi %mul3A_91, %add3A_144 : i32
        %get3A_146 = arith.index_cast %add3A_145 : i32 to index
        %get3A_147 = arith.constant 0 : index
        %get3A_148 = tpu.vector_load %arg9[%get3A_146, %get3A_147] {strides = array<i32>} : memref<256x64xbf16, #tpu.memory_space<vmem>>, vector<32xbf16>,
        %max3A_149 = arith.maximumf %max3A_137, %get3A_148 : vector<32xbf16>
        %add3A_150 = arith.constant 5 : i32
        %add3A_151 = arith.addi %mul3A_91, %add3A_150 : i32
        %get3A_152 = arith.index_cast %add3A_151 : i32 to index
        %get3A_153 = arith.constant 32 : index
        %get3A_154 = tpu.vector_load %arg9[%get3A_152, %get3A_153] {strides = array<i32>} : memref<256x64xbf16, #tpu.memory_space<vmem>>, vector<32xbf16>,
        %max3A_155 = arith.maximumf %max3A_143, %get3A_154 : vector<32xbf16>
        %add3A_156 = arith.constant 6 : i32
        %add3A_157 = arith.addi %mul3A_91, %add3A_156 : i32
        %get3A_158 = arith.index_cast %add3A_157 : i32 to index
        %get3A_159 = arith.constant 0 : index
        %get3A_160 = tpu.vector_load %arg9[%get3A_158, %get3A_159] {strides = array<i32>} : memref<256x64xbf16, #tpu.memory_space<vmem>>, vector<32xbf16>,
        %max3A_161 = arith.maximumf %max3A_149, %get3A_160 : vector<32xbf16>
        %add3A_162 = arith.constant 6 : i32
        %add3A_163 = arith.addi %mul3A_91, %add3A_162 : i32
        %get3A_164 = arith.index_cast %add3A_163 : i32 to index
        %get3A_165 = arith.constant 32 : index
        %get3A_166 = tpu.vector_load %arg9[%get3A_164, %get3A_165] {strides = array<i32>} : memref<256x64xbf16, #tpu.memory_space<vmem>>, vector<32xbf16>,
        %max3A_167 = arith.maximumf %max3A_155, %get3A_166 : vector<32xbf16>
        %add3A_168 = arith.constant 7 : i32
        %add3A_169 = arith.addi %mul3A_91, %add3A_168 : i32
        %get3A_170 = arith.index_cast %add3A_169 : i32 to index
        %get3A_171 = arith.constant 0 : index
        %get3A_172 = tpu.vector_load %arg9[%get3A_170, %get3A_171] {strides = array<i32>} : memref<256x64xbf16, #tpu.memory_space<vmem>>, vector<32xbf16>,
        %max3A_173 = arith.maximumf %max3A_161, %get3A_172 : vector<32xbf16>
        %add3A_174 = arith.constant 7 : i32
        %add3A_175 = arith.addi %mul3A_91, %add3A_174 : i32
        %get3A_176 = arith.index_cast %add3A_175 : i32 to index
        %get3A_177 = arith.constant 32 : index
        %get3A_178 = tpu.vector_load %arg9[%get3A_176, %get3A_177] {strides = array<i32>} : memref<256x64xbf16, #tpu.memory_space<vmem>>, vector<32xbf16>,
        %max3A_179 = arith.maximumf %max3A_167, %get3A_178 : vector<32xbf16>
        %add3A_180 = arith.constant 8 : i32
        %add3A_181 = arith.addi %mul3A_91, %add3A_180 : i32
        %get3A_182 = arith.index_cast %add3A_181 : i32 to index
        %get3A_183 = arith.constant 0 : index
        %get3A_184 = tpu.vector_load %arg9[%get3A_182, %get3A_183] {strides = array<i32>} : memref<256x64xbf16, #tpu.memory_space<vmem>>, vector<32xbf16>,
        %max3A_185 = arith.maximumf %max3A_173, %get3A_184 : vector<32xbf16>
        %add3A_186 = arith.constant 8 : i32
        %add3A_187 = arith.addi %mul3A_91, %add3A_186 : i32
        %get3A_188 = arith.index_cast %add3A_187 : i32 to index
        %get3A_189 = arith.constant 32 : index
        %get3A_190 = tpu.vector_load %arg9[%get3A_188, %get3A_189] {strides = array<i32>} : memref<256x64xbf16, #tpu.memory_space<vmem>>, vector<32xbf16>,
        %max3A_191 = arith.maximumf %max3A_179, %get3A_190 : vector<32xbf16>
        %add3A_192 = arith.constant 9 : i32
        %add3A_193 = arith.addi %mul3A_91, %add3A_192 : i32
        %get3A_194 = arith.index_cast %add3A_193 : i32 to index
        %get3A_195 = arith.constant 0 : index
        %get3A_196 = tpu.vector_load %arg9[%get3A_194, %get3A_195] {strides = array<i32>} : memref<256x64xbf16, #tpu.memory_space<vmem>>, vector<32xbf16>,
        %max3A_197 = arith.maximumf %max3A_185, %get3A_196 : vector<32xbf16>
        %add3A_198 = arith.constant 9 : i32
        %add3A_199 = arith.addi %mul3A_91, %add3A_198 : i32
        %get3A_200 = arith.index_cast %add3A_199 : i32 to index
        %get3A_201 = arith.constant 32 : index
        %get3A_202 = tpu.vector_load %arg9[%get3A_200, %get3A_201] {strides = array<i32>} : memref<256x64xbf16, #tpu.memory_space<vmem>>, vector<32xbf16>,
        %max3A_203 = arith.maximumf %max3A_191, %get3A_202 : vector<32xbf16>
        %add3A_204 = arith.constant 10 : i32
        %add3A_205 = arith.addi %mul3A_91, %add3A_204 : i32
        %get3A_206 = arith.index_cast %add3A_205 : i32 to index
        %get3A_207 = arith.constant 0 : index
        %get3A_208 = tpu.vector_load %arg9[%get3A_206, %get3A_207] {strides = array<i32>} : memref<256x64xbf16, #tpu.memory_space<vmem>>, vector<32xbf16>,
        %max3A_209 = arith.maximumf %max3A_197, %get3A_208 : vector<32xbf16>
        %add3A_210 = arith.constant 10 : i32
        %add3A_211 = arith.addi %mul3A_91, %add3A_210 : i32
        %get3A_212 = arith.index_cast %add3A_211 : i32 to index
        %get3A_213 = arith.constant 32 : index
        %get3A_214 = tpu.vector_load %arg9[%get3A_212, %get3A_213] {strides = array<i32>} : memref<256x64xbf16, #tpu.memory_space<vmem>>, vector<32xbf16>,
        %max3A_215 = arith.maximumf %max3A_203, %get3A_214 : vector<32xbf16>
        %add3A_216 = arith.constant 11 : i32
        %add3A_217 = arith.addi %mul3A_91, %add3A_216 : i32
        %get3A_218 = arith.index_cast %add3A_217 : i32 to index
        %get3A_219 = arith.constant 0 : index
        %get3A_220 = tpu.vector_load %arg9[%get3A_218, %get3A_219] {strides = array<i32>} : memref<256x64xbf16, #tpu.memory_space<vmem>>, vector<32xbf16>,
        %max3A_221 = arith.maximumf %max3A_209, %get3A_220 : vector<32xbf16>
        %add3A_222 = arith.constant 11 : i32
        %add3A_223 = arith.addi %mul3A_91, %add3A_222 : i32
        %get3A_224 = arith.index_cast %add3A_223 : i32 to index
        %get3A_225 = arith.constant 32 : index
        %get3A_226 = tpu.vector_load %arg9[%get3A_224, %get3A_225] {strides = array<i32>} : memref<256x64xbf16, #tpu.memory_space<vmem>>, vector<32xbf16>,
        %max3A_227 = arith.maximumf %max3A_215, %get3A_226 : vector<32xbf16>
        %add3A_228 = arith.constant 12 : i32
        %add3A_229 = arith.addi %mul3A_91, %add3A_228 : i32
        %get3A_230 = arith.index_cast %add3A_229 : i32 to index
        %get3A_231 = arith.constant 0 : index
        %get3A_232 = tpu.vector_load %arg9[%get3A_230, %get3A_231] {strides = array<i32>} : memref<256x64xbf16, #tpu.memory_space<vmem>>, vector<32xbf16>,
        %max3A_233 = arith.maximumf %max3A_221, %get3A_232 : vector<32xbf16>
        %add3A_234 = arith.constant 12 : i32
        %add3A_235 = arith.addi %mul3A_91, %add3A_234 : i32
        %get3A_236 = arith.index_cast %add3A_235 : i32 to index
        %get3A_237 = arith.constant 32 : index
        %get3A_238 = tpu.vector_load %arg9[%get3A_236, %get3A_237] {strides = array<i32>} : memref<256x64xbf16, #tpu.memory_space<vmem>>, vector<32xbf16>,
        %max3A_239 = arith.maximumf %max3A_227, %get3A_238 : vector<32xbf16>
        %add3A_240 = arith.constant 13 : i32
        %add3A_241 = arith.addi %mul3A_91, %add3A_240 : i32
        %get3A_242 = arith.index_cast %add3A_241 : i32 to index
        %get3A_243 = arith.constant 0 : index
        %get3A_244 = tpu.vector_load %arg9[%get3A_242, %get3A_243] {strides = array<i32>} : memref<256x64xbf16, #tpu.memory_space<vmem>>, vector<32xbf16>,
        %max3A_245 = arith.maximumf %max3A_233, %get3A_244 : vector<32xbf16>
        %add3A_246 = arith.constant 13 : i32
        %add3A_247 = arith.addi %mul3A_91, %add3A_246 : i32
        %get3A_248 = arith.index_cast %add3A_247 : i32 to index
        %get3A_249 = arith.constant 32 : index
        %get3A_250 = tpu.vector_load %arg9[%get3A_248, %get3A_249] {strides = array<i32>} : memref<256x64xbf16, #tpu.memory_space<vmem>>, vector<32xbf16>,
        %max3A_251 = arith.maximumf %max3A_239, %get3A_250 : vector<32xbf16>
        %add3A_252 = arith.constant 14 : i32
        %add3A_253 = arith.addi %mul3A_91, %add3A_252 : i32
        %get3A_254 = arith.index_cast %add3A_253 : i32 to index
        %get3A_255 = arith.constant 0 : index
        %get3A_256 = tpu.vector_load %arg9[%get3A_254, %get3A_255] {strides = array<i32>} : memref<256x64xbf16, #tpu.memory_space<vmem>>, vector<32xbf16>,
        %max3A_257 = arith.maximumf %max3A_245, %get3A_256 : vector<32xbf16>
        %add3A_258 = arith.constant 14 : i32
        %add3A_259 = arith.addi %mul3A_91, %add3A_258 : i32
        %get3A_260 = arith.index_cast %add3A_259 : i32 to index
        %get3A_261 = arith.constant 32 : index
        %get3A_262 = tpu.vector_load %arg9[%get3A_260, %get3A_261] {strides = array<i32>} : memref<256x64xbf16, #tpu.memory_space<vmem>>, vector<32xbf16>,
        %max3A_263 = arith.maximumf %max3A_251, %get3A_262 : vector<32xbf16>
        %add3A_264 = arith.constant 15 : i32
        %add3A_265 = arith.addi %mul3A_91, %add3A_264 : i32
        %get3A_266 = arith.index_cast %add3A_265 : i32 to index
        %get3A_267 = arith.constant 0 : index
        %get3A_268 = tpu.vector_load %arg9[%get3A_266, %get3A_267] {strides = array<i32>} : memref<256x64xbf16, #tpu.memory_space<vmem>>, vector<32xbf16>,
        %max3A_269 = arith.maximumf %max3A_257, %get3A_268 : vector<32xbf16>
        %add3A_270 = arith.constant 15 : i32
        %add3A_271 = arith.addi %mul3A_91, %add3A_270 : i32
        %get3A_272 = arith.index_cast %add3A_271 : i32 to index
        %get3A_273 = arith.constant 32 : index
        %get3A_274 = tpu.vector_load %arg9[%get3A_272, %get3A_273] {strides = array<i32>} : memref<256x64xbf16, #tpu.memory_space<vmem>>, vector<32xbf16>,
        %max3A_275 = arith.maximumf %max3A_263, %get3A_274 : vector<32xbf16>
        %add3A_276 = arith.constant 16 : i32
        %add3A_277 = arith.addi %mul3A_91, %add3A_276 : i32
        %get3A_278 = arith.index_cast %add3A_277 : i32 to index
        %get3A_279 = arith.constant 0 : index
        %get3A_280 = tpu.vector_load %arg9[%get3A_278, %get3A_279] {strides = array<i32>} : memref<256x64xbf16, #tpu.memory_space<vmem>>, vector<32xbf16>,
        %max3A_281 = arith.maximumf %max3A_269, %get3A_280 : vector<32xbf16>
        %add3A_282 = arith.constant 16 : i32
        %add3A_283 = arith.addi %mul3A_91, %add3A_282 : i32
        %get3A_284 = arith.index_cast %add3A_283 : i32 to index
        %get3A_285 = arith.constant 32 : index
        %get3A_286 = tpu.vector_load %arg9[%get3A_284, %get3A_285] {strides = array<i32>} : memref<256x64xbf16, #tpu.memory_space<vmem>>, vector<32xbf16>,
        %max3A_287 = arith.maximumf %max3A_275, %get3A_286 : vector<32xbf16>
        %add3A_288 = arith.constant 17 : i32
        %add3A_289 = arith.addi %mul3A_91, %add3A_288 : i32
        %get3A_290 = arith.index_cast %add3A_289 : i32 to index
        %get3A_291 = arith.constant 0 : index
        %get3A_292 = tpu.vector_load %arg9[%get3A_290, %get3A_291] {strides = array<i32>} : memref<256x64xbf16, #tpu.memory_space<vmem>>, vector<32xbf16>,
        %max3A_293 = arith.maximumf %max3A_281, %get3A_292 : vector<32xbf16>
        %add3A_294 = arith.constant 17 : i32
        %add3A_295 = arith.addi %mul3A_91, %add3A_294 : i32
        %get3A_296 = arith.index_cast %add3A_295 : i32 to index
        %get3A_297 = arith.constant 32 : index
        %get3A_298 = tpu.vector_load %arg9[%get3A_296, %get3A_297] {strides = array<i32>} : memref<256x64xbf16, #tpu.memory_space<vmem>>, vector<32xbf16>,
        %max3A_299 = arith.maximumf %max3A_287, %get3A_298 : vector<32xbf16>
        %add3A_300 = arith.constant 18 : i32
        %add3A_301 = arith.addi %mul3A_91, %add3A_300 : i32
        %get3A_302 = arith.index_cast %add3A_301 : i32 to index
        %get3A_303 = arith.constant 0 : index
        %get3A_304 = tpu.vector_load %arg9[%get3A_302, %get3A_303] {strides = array<i32>} : memref<256x64xbf16, #tpu.memory_space<vmem>>, vector<32xbf16>,
        %max3A_305 = arith.maximumf %max3A_293, %get3A_304 : vector<32xbf16>
        %add3A_306 = arith.constant 18 : i32
        %add3A_307 = arith.addi %mul3A_91, %add3A_306 : i32
        %get3A_308 = arith.index_cast %add3A_307 : i32 to index
        %get3A_309 = arith.constant 32 : index
        %get3A_310 = tpu.vector_load %arg9[%get3A_308, %get3A_309] {strides = array<i32>} : memref<256x64xbf16, #tpu.memory_space<vmem>>, vector<32xbf16>,
        %max3A_311 = arith.maximumf %max3A_299, %get3A_310 : vector<32xbf16>
        %add3A_312 = arith.constant 19 : i32
        %add3A_313 = arith.addi %mul3A_91, %add3A_312 : i32
        %get3A_314 = arith.index_cast %add3A_313 : i32 to index
        %get3A_315 = arith.constant 0 : index
        %get3A_316 = tpu.vector_load %arg9[%get3A_314, %get3A_315] {strides = array<i32>} : memref<256x64xbf16, #tpu.memory_space<vmem>>, vector<32xbf16>,
        %max3A_317 = arith.maximumf %max3A_305, %get3A_316 : vector<32xbf16>
        %add3A_318 = arith.constant 19 : i32
        %add3A_319 = arith.addi %mul3A_91, %add3A_318 : i32
        %get3A_320 = arith.index_cast %add3A_319 : i32 to index
        %get3A_321 = arith.constant 32 : index
        %get3A_322 = tpu.vector_load %arg9[%get3A_320, %get3A_321] {strides = array<i32>} : memref<256x64xbf16, #tpu.memory_space<vmem>>, vector<32xbf16>,
        %max3A_323 = arith.maximumf %max3A_311, %get3A_322 : vector<32xbf16>
        %add3A_324 = arith.constant 20 : i32
        %add3A_325 = arith.addi %mul3A_91, %add3A_324 : i32
        %get3A_326 = arith.index_cast %add3A_325 : i32 to index
        %get3A_327 = arith.constant 0 : index
        %get3A_328 = tpu.vector_load %arg9[%get3A_326, %get3A_327] {strides = array<i32>} : memref<256x64xbf16, #tpu.memory_space<vmem>>, vector<32xbf16>,
        %max3A_329 = arith.maximumf %max3A_317, %get3A_328 : vector<32xbf16>
        %add3A_330 = arith.constant 20 : i32
        %add3A_331 = arith.addi %mul3A_91, %add3A_330 : i32
        %get3A_332 = arith.index_cast %add3A_331 : i32 to index
        %get3A_333 = arith.constant 32 : index
        %get3A_334 = tpu.vector_load %arg9[%get3A_332, %get3A_333] {strides = array<i32>} : memref<256x64xbf16, #tpu.memory_space<vmem>>, vector<32xbf16>,
        %max3A_335 = arith.maximumf %max3A_323, %get3A_334 : vector<32xbf16>
        %add3A_336 = arith.constant 21 : i32
        %add3A_337 = arith.addi %mul3A_91, %add3A_336 : i32
        %get3A_338 = arith.index_cast %add3A_337 : i32 to index
        %get3A_339 = arith.constant 0 : index
        %get3A_340 = tpu.vector_load %arg9[%get3A_338, %get3A_339] {strides = array<i32>} : memref<256x64xbf16, #tpu.memory_space<vmem>>, vector<32xbf16>,
        %max3A_341 = arith.maximumf %max3A_329, %get3A_340 : vector<32xbf16>
        %add3A_342 = arith.constant 21 : i32
        %add3A_343 = arith.addi %mul3A_91, %add3A_342 : i32
        %get3A_344 = arith.index_cast %add3A_343 : i32 to index
        %get3A_345 = arith.constant 32 : index
        %get3A_346 = tpu.vector_load %arg9[%get3A_344, %get3A_345] {strides = array<i32>} : memref<256x64xbf16, #tpu.memory_space<vmem>>, vector<32xbf16>,
        %max3A_347 = arith.maximumf %max3A_335, %get3A_346 : vector<32xbf16>
        %add3A_348 = arith.constant 22 : i32
        %add3A_349 = arith.addi %mul3A_91, %add3A_348 : i32
        %get3A_350 = arith.index_cast %add3A_349 : i32 to index
        %get3A_351 = arith.constant 0 : index
        %get3A_352 = tpu.vector_load %arg9[%get3A_350, %get3A_351] {strides = array<i32>} : memref<256x64xbf16, #tpu.memory_space<vmem>>, vector<32xbf16>,
        %max3A_353 = arith.maximumf %max3A_341, %get3A_352 : vector<32xbf16>
        %add3A_354 = arith.constant 22 : i32
        %add3A_355 = arith.addi %mul3A_91, %add3A_354 : i32
        %get3A_356 = arith.index_cast %add3A_355 : i32 to index
        %get3A_357 = arith.constant 32 : index
        %get3A_358 = tpu.vector_load %arg9[%get3A_356, %get3A_357] {strides = array<i32>} : memref<256x64xbf16, #tpu.memory_space<vmem>>, vector<32xbf16>,
        %max3A_359 = arith.maximumf %max3A_347, %get3A_358 : vector<32xbf16>
        %add3A_360 = arith.constant 23 : i32
        %add3A_361 = arith.addi %mul3A_91, %add3A_360 : i32
        %get3A_362 = arith.index_cast %add3A_361 : i32 to index
        %get3A_363 = arith.constant 0 : index
        %get3A_364 = tpu.vector_load %arg9[%get3A_362, %get3A_363] {strides = array<i32>} : memref<256x64xbf16, #tpu.memory_space<vmem>>, vector<32xbf16>,
        %max3A_365 = arith.maximumf %max3A_353, %get3A_364 : vector<32xbf16>
        %add3A_366 = arith.constant 23 : i32
        %add3A_367 = arith.addi %mul3A_91, %add3A_366 : i32
        %get3A_368 = arith.index_cast %add3A_367 : i32 to index
        %get3A_369 = arith.constant 32 : index
        %get3A_370 = tpu.vector_load %arg9[%get3A_368, %get3A_369] {strides = array<i32>} : memref<256x64xbf16, #tpu.memory_space<vmem>>, vector<32xbf16>,
        %max3A_371 = arith.maximumf %max3A_359, %get3A_370 : vector<32xbf16>
        %add3A_372 = arith.constant 24 : i32
        %add3A_373 = arith.addi %mul3A_91, %add3A_372 : i32
        %get3A_374 = arith.index_cast %add3A_373 : i32 to index
        %get3A_375 = arith.constant 0 : index
        %get3A_376 = tpu.vector_load %arg9[%get3A_374, %get3A_375] {strides = array<i32>} : memref<256x64xbf16, #tpu.memory_space<vmem>>, vector<32xbf16>,
        %max3A_377 = arith.maximumf %max3A_365, %get3A_376 : vector<32xbf16>
        %add3A_378 = arith.constant 24 : i32
        %add3A_379 = arith.addi %mul3A_91, %add3A_378 : i32
        %get3A_380 = arith.index_cast %add3A_379 : i32 to index
        %get3A_381 = arith.constant 32 : index
        %get3A_382 = tpu.vector_load %arg9[%get3A_380, %get3A_381] {strides = array<i32>} : memref<256x64xbf16, #tpu.memory_space<vmem>>, vector<32xbf16>,
        %max3A_383 = arith.maximumf %max3A_371, %get3A_382 : vector<32xbf16>
        %add3A_384 = arith.constant 25 : i32
        %add3A_385 = arith.addi %mul3A_91, %add3A_384 : i32
        %get3A_386 = arith.index_cast %add3A_385 : i32 to index
        %get3A_387 = arith.constant 0 : index
        %get3A_388 = tpu.vector_load %arg9[%get3A_386, %get3A_387] {strides = array<i32>} : memref<256x64xbf16, #tpu.memory_space<vmem>>, vector<32xbf16>,
        %max3A_389 = arith.maximumf %max3A_377, %get3A_388 : vector<32xbf16>
        %add3A_390 = arith.constant 25 : i32
        %add3A_391 = arith.addi %mul3A_91, %add3A_390 : i32
        %get3A_392 = arith.index_cast %add3A_391 : i32 to index
        %get3A_393 = arith.constant 32 : index
        %get3A_394 = tpu.vector_load %arg9[%get3A_392, %get3A_393] {strides = array<i32>} : memref<256x64xbf16, #tpu.memory_space<vmem>>, vector<32xbf16>,
        %max3A_395 = arith.maximumf %max3A_383, %get3A_394 : vector<32xbf16>
        %add3A_396 = arith.constant 26 : i32
        %add3A_397 = arith.addi %mul3A_91, %add3A_396 : i32
        %get3A_398 = arith.index_cast %add3A_397 : i32 to index
        %get3A_399 = arith.constant 0 : index
        %get3A_400 = tpu.vector_load %arg9[%get3A_398, %get3A_399] {strides = array<i32>} : memref<256x64xbf16, #tpu.memory_space<vmem>>, vector<32xbf16>,
        %max3A_401 = arith.maximumf %max3A_389, %get3A_400 : vector<32xbf16>
        %add3A_402 = arith.constant 26 : i32
        %add3A_403 = arith.addi %mul3A_91, %add3A_402 : i32
        %get3A_404 = arith.index_cast %add3A_403 : i32 to index
        %get3A_405 = arith.constant 32 : index
        %get3A_406 = tpu.vector_load %arg9[%get3A_404, %get3A_405] {strides = array<i32>} : memref<256x64xbf16, #tpu.memory_space<vmem>>, vector<32xbf16>,
        %max3A_407 = arith.maximumf %max3A_395, %get3A_406 : vector<32xbf16>
        %add3A_408 = arith.constant 27 : i32
        %add3A_409 = arith.addi %mul3A_91, %add3A_408 : i32
        %get3A_410 = arith.index_cast %add3A_409 : i32 to index
        %get3A_411 = arith.constant 0 : index
        %get3A_412 = tpu.vector_load %arg9[%get3A_410, %get3A_411] {strides = array<i32>} : memref<256x64xbf16, #tpu.memory_space<vmem>>, vector<32xbf16>,
        %max3A_413 = arith.maximumf %max3A_401, %get3A_412 : vector<32xbf16>
        %add3A_414 = arith.constant 27 : i32
        %add3A_415 = arith.addi %mul3A_91, %add3A_414 : i32
        %get3A_416 = arith.index_cast %add3A_415 : i32 to index
        %get3A_417 = arith.constant 32 : index
        %get3A_418 = tpu.vector_load %arg9[%get3A_416, %get3A_417] {strides = array<i32>} : memref<256x64xbf16, #tpu.memory_space<vmem>>, vector<32xbf16>,
        %max3A_419 = arith.maximumf %max3A_407, %get3A_418 : vector<32xbf16>
        %add3A_420 = arith.constant 28 : i32
        %add3A_421 = arith.addi %mul3A_91, %add3A_420 : i32
        %get3A_422 = arith.index_cast %add3A_421 : i32 to index
        %get3A_423 = arith.constant 0 : index
        %get3A_424 = tpu.vector_load %arg9[%get3A_422, %get3A_423] {strides = array<i32>} : memref<256x64xbf16, #tpu.memory_space<vmem>>, vector<32xbf16>,
        %max3A_425 = arith.maximumf %max3A_413, %get3A_424 : vector<32xbf16>
        %add3A_426 = arith.constant 28 : i32
        %add3A_427 = arith.addi %mul3A_91, %add3A_426 : i32
        %get3A_428 = arith.index_cast %add3A_427 : i32 to index
        %get3A_429 = arith.constant 32 : index
        %get3A_430 = tpu.vector_load %arg9[%get3A_428, %get3A_429] {strides = array<i32>} : memref<256x64xbf16, #tpu.memory_space<vmem>>, vector<32xbf16>,
        %max3A_431 = arith.maximumf %max3A_419, %get3A_430 : vector<32xbf16>
        %add3A_432 = arith.constant 29 : i32
        %add3A_433 = arith.addi %mul3A_91, %add3A_432 : i32
        %get3A_434 = arith.index_cast %add3A_433 : i32 to index
        %get3A_435 = arith.constant 0 : index
        %get3A_436 = tpu.vector_load %arg9[%get3A_434, %get3A_435] {strides = array<i32>} : memref<256x64xbf16, #tpu.memory_space<vmem>>, vector<32xbf16>,
        %max3A_437 = arith.maximumf %max3A_425, %get3A_436 : vector<32xbf16>
        %add3A_438 = arith.constant 29 : i32
        %add3A_439 = arith.addi %mul3A_91, %add3A_438 : i32
        %get3A_440 = arith.index_cast %add3A_439 : i32 to index
        %get3A_441 = arith.constant 32 : index
        %get3A_442 = tpu.vector_load %arg9[%get3A_440, %get3A_441] {strides = array<i32>} : memref<256x64xbf16, #tpu.memory_space<vmem>>, vector<32xbf16>,
        %max3A_443 = arith.maximumf %max3A_431, %get3A_442 : vector<32xbf16>
        %add3A_444 = arith.constant 30 : i32
        %add3A_445 = arith.addi %mul3A_91, %add3A_444 : i32
        %get3A_446 = arith.index_cast %add3A_445 : i32 to index
        %get3A_447 = arith.constant 0 : index
        %get3A_448 = tpu.vector_load %arg9[%get3A_446, %get3A_447] {strides = array<i32>} : memref<256x64xbf16, #tpu.memory_space<vmem>>, vector<32xbf16>,
        %max3A_449 = arith.maximumf %max3A_437, %get3A_448 : vector<32xbf16>
        %add3A_450 = arith.constant 30 : i32
        %add3A_451 = arith.addi %mul3A_91, %add3A_450 : i32
        %get3A_452 = arith.index_cast %add3A_451 : i32 to index
        %get3A_453 = arith.constant 32 : index
        %get3A_454 = tpu.vector_load %arg9[%get3A_452, %get3A_453] {strides = array<i32>} : memref<256x64xbf16, #tpu.memory_space<vmem>>, vector<32xbf16>,
        %max3A_455 = arith.maximumf %max3A_443, %get3A_454 : vector<32xbf16>
        %add3A_456 = arith.constant 31 : i32
        %add3A_457 = arith.addi %mul3A_91, %add3A_456 : i32
        %get3A_458 = arith.index_cast %add3A_457 : i32 to index
        %get3A_459 = arith.constant 0 : index
        %get3A_460 = tpu.vector_load %arg9[%get3A_458, %get3A_459] {strides = array<i32>} : memref<256x64xbf16, #tpu.memory_space<vmem>>, vector<32xbf16>,
        %max3A_461 = arith.maximumf %max3A_449, %get3A_460 : vector<32xbf16>
        %add3A_462 = arith.constant 31 : i32
        %add3A_463 = arith.addi %mul3A_91, %add3A_462 : i32
        %get3A_464 = arith.index_cast %add3A_463 : i32 to index
        %get3A_465 = arith.constant 32 : index
        %get3A_466 = tpu.vector_load %arg9[%get3A_464, %get3A_465] {strides = array<i32>} : memref<256x64xbf16, #tpu.memory_space<vmem>>, vector<32xbf16>,
        %max3A_467 = arith.maximumf %max3A_455, %get3A_466 : vector<32xbf16>
        %mul3A_468 = arith.constant 8 : i32
        %mul3A_469 = arith.muli %add3A_66, %mul3A_468 : i32
        %add3A_470 = arith.addi %mul3A_469, %scan3A_88 : i32
        %swap3A = arith.index_cast %add3A_470 : i32 to index
        %swap3A_471 = arith.constant 0 : index
        %swap3A_472 = tpu.vector_load %arg10[%swap3A, %swap3A_471] {strides = array<i32>} : memref<320x64xbf16, #tpu.memory_space<vmem>>, vector<32xbf16>,
        tpu.vector_store %arg10[%swap3A, %swap3A_471], %max3A_461 {strides = array<i32>} : memref<320x64xbf16, #tpu.memory_space<vmem>>, vector<32xbf16>,
        %swap3A_473 = arith.index_cast %add3A_470 : i32 to index
        %swap3A_474 = arith.constant 32 : index
        %swap3A_475 = tpu.vector_load %arg10[%swap3A_473, %swap3A_474] {strides = array<i32>} : memref<320x64xbf16, #tpu.memory_space<vmem>>, vector<32xbf16>,
        tpu.vector_store %arg10[%swap3A_473, %swap3A_474], %max3A_467 {strides = array<i32>} : memref<320x64xbf16, #tpu.memory_space<vmem>>, vector<32xbf16>,
        %scan3A_476 = arith.constant 0 : i32
        scf.yield %scan3A_476 : i32
      }
      %scan3A_79 = arith.constant 8 : i32
      %add3A_80 = arith.constant 2 : i32
      %add3A_81 = arith.addi %add3A_66, %add3A_80 : i32
      %lt3A_82 = arith.constant 40 : i32
      %lt3A_83 = arith.cmpi slt, %add3A_81, %lt3A_82 : i32
      %convert_element_type3A_84 = arith.extui %lt3A_83 : i1 to i32
      %cond3A_85 = arith.constant 0 : i32
      %cond3A_86 = arith.cmpi ne, %convert_element_type3A_84, %cond3A_85 : i32
      scf.if %cond3A_86 {
        %add3A_88 = arith.constant 2 : i32
        %add3A_89 = arith.addi %add3A_66, %add3A_88 : i32
        %dma_start3A_90 = arith.constant 0 : i32
        %dma_start3A_91 = tpu.memref_slice %arg6[%add3A_89, %dma_start3A_90] : memref<40x256xi32, #tpu.memory_space<vmem>> -> memref<1x256xi32, #tpu.memory_space<vmem>>
        %dma_start3A_92 = tpu.memref_squeeze %dma_start3A_91 : memref<1x256xi32, #tpu.memory_space<vmem>> -> memref<256xi32, #tpu.memory_space<vmem>>
        %dma_start3A_93 = arith.constant 0 : i32
        %dma_start3A_94 = arith.constant 0 : i32
        %dma_start3A_95 = tpu.memref_slice %arg7[%dma_start3A_93, %dma_start3A_94] : memref<10000x64xbf16, #tpu.memory_space<vmem_shared>> -> memref<10000x64xbf16, #tpu.memory_space<vmem_shared>>
        tpu.enqueue_indirect_dma source(%dma_start3A_95 : memref<10000x64xbf16, #tpu.memory_space<vmem_shared>>) target(%arg9 : memref<256x64xbf16, #tpu.memory_space<vmem>>) offsets(%dma_start3A_92 : memref<256xi32, #tpu.memory_space<vmem>>) semaphore(%arg13 : memref<!tpu.dma_semaphore, #tpu.memory_space<semaphore_mem>>)
      } else {
      }
      %scan3A_87 = arith.constant 0 : i32
      scf.yield %scan3A_87 : i32
    }
    %scan3A_38 = arith.constant 20 : i32
    %mul3A_39 = arith.constant 320 : i32
    %mul3A_40 = arith.muli %add3A, %mul3A_39 : i32
    "tpu.region"() ({
      %run_scoped3A = tpu.sem_alloc : memref<!tpu.dma_semaphore, #tpu.memory_space<semaphore_mem>>
      %dma_start3A_41 = arith.constant 0 : i32
      %dma_start3A_42 = tpu.memref_slice %arg4[%mul3A_40, %dma_start3A_41] : memref<10240x64xbf16, #tpu.memory_space<hbm>> -> memref<320x64xbf16, #tpu.memory_space<hbm>>
      %dma_start3A_43 = arith.constant 0 : i32
      %dma_start3A_44 = tpu.memref_slice %arg4[%mul3A_40, %dma_start3A_43] : memref<10240x64xbf16, #tpu.memory_space<hbm>> -> memref<320x64xbf16, #tpu.memory_space<hbm>>
      tpu.enqueue_dma source(%arg10 : memref<320x64xbf16, #tpu.memory_space<vmem>>) target(%dma_start3A_44 : memref<320x64xbf16, #tpu.memory_space<hbm>>) target_semaphore(%run_scoped3A : memref<!tpu.dma_semaphore, #tpu.memory_space<semaphore_mem>>)
      %dma_wait3A = arith.constant 0 : i32
      %dma_wait3A_45 = tpu.memref_slice %arg4[%mul3A_40, %dma_wait3A] : memref<10240x64xbf16, #tpu.memory_space<hbm>> -> memref<320x64xbf16, #tpu.memory_space<hbm>>
      %dma_wait3A_46 = arith.constant 0 : i32
      %dma_wait3A_47 = tpu.memref_slice %arg4[%mul3A_40, %dma_wait3A_46] : memref<10240x64xbf16, #tpu.memory_space<hbm>> -> memref<320x64xbf16, #tpu.memory_space<hbm>>
      tpu.wait_dma2 semaphore(%run_scoped3A : memref<!tpu.dma_semaphore, #tpu.memory_space<semaphore_mem>>) src(%arg10 : memref<320x64xbf16, #tpu.memory_space<vmem>>) dst(%dma_wait3A_47 : memref<320x64xbf16, #tpu.memory_space<hbm>>)
      tpu.yield
    }) : () -> ()
    "tpu.region"() ({
      %run_scoped3A = tpu.sem_alloc : memref<!tpu.dma_semaphore, #tpu.memory_space<semaphore_mem>>
      %dma_start3A_41 = arith.constant 0 : i32
      %dma_start3A_42 = tpu.memref_slice %arg5[%add3A, %dma_start3A_41] : memref<32x10000xi32, #tpu.memory_space<hbm>> -> memref<1x10000xi32, #tpu.memory_space<hbm>>
      %dma_start3A_43 = tpu.memref_squeeze %dma_start3A_42 : memref<1x10000xi32, #tpu.memory_space<hbm>> -> memref<10000xi32, #tpu.memory_space<hbm>>
      %dma_start3A_44 = arith.constant 0 : i32
      %dma_start3A_45 = tpu.memref_slice %arg5[%add3A, %dma_start3A_44] : memref<32x10000xi32, #tpu.memory_space<hbm>> -> memref<1x10000xi32, #tpu.memory_space<hbm>>
      %dma_start3A_46 = tpu.memref_squeeze %dma_start3A_45 : memref<1x10000xi32, #tpu.memory_space<hbm>> -> memref<10000xi32, #tpu.memory_space<hbm>>
      tpu.enqueue_dma source(%arg11 : memref<10000xi32, #tpu.memory_space<vmem>>) target(%dma_start3A_46 : memref<10000xi32, #tpu.memory_space<hbm>>) target_semaphore(%run_scoped3A : memref<!tpu.dma_semaphore, #tpu.memory_space<semaphore_mem>>)
      %dma_wait3A = arith.constant 0 : i32
      %dma_wait3A_47 = tpu.memref_slice %arg5[%add3A, %dma_wait3A] : memref<32x10000xi32, #tpu.memory_space<hbm>> -> memref<1x10000xi32, #tpu.memory_space<hbm>>
      %dma_wait3A_48 = tpu.memref_squeeze %dma_wait3A_47 : memref<1x10000xi32, #tpu.memory_space<hbm>> -> memref<10000xi32, #tpu.memory_space<hbm>>
      %dma_wait3A_49 = arith.constant 0 : i32
      %dma_wait3A_50 = tpu.memref_slice %arg5[%add3A, %dma_wait3A_49] : memref<32x10000xi32, #tpu.memory_space<hbm>> -> memref<1x10000xi32, #tpu.memory_space<hbm>>
      %dma_wait3A_51 = tpu.memref_squeeze %dma_wait3A_50 : memref<1x10000xi32, #tpu.memory_space<hbm>> -> memref<10000xi32, #tpu.memory_space<hbm>>
      tpu.wait_dma2 semaphore(%run_scoped3A : memref<!tpu.dma_semaphore, #tpu.memory_space<semaphore_mem>>) src(%arg11 : memref<10000xi32, #tpu.memory_space<vmem>>) dst(%dma_wait3A_51 : memref<10000xi32, #tpu.memory_space<hbm>>)
      tpu.yield
    }) : () -> ()
    return
  }
}

module attributes {stable_mosaic.version = 14 : i64} {
  func.func @_mm_body(%arg0: memref<10000x128xf32, #tpu.memory_space<vmem>>, %arg1: memref<64x128xf32, #tpu.memory_space<vmem>>, %arg2: memref<10000x64xf32, #tpu.memory_space<vmem>>, %arg3: memref<10000x64xbf16, #tpu.memory_space<vmem>>) attributes {dimension_semantics = [], scalar_prefetch = 0 : i64, scratch_operands = 0 : i64, tpu.core_type = #tpu.core_type<tc>} {
    %get3A = arith.constant 0 : index
    %get3A_0 = arith.constant 0 : index
    %get3A_1 = vector.load %arg0[%get3A, %get3A_0] : memref<10000x128xf32, #tpu.memory_space<vmem>>, vector<10000x128xf32>
    %get3A_2 = arith.constant 0 : index
    %get3A_3 = arith.constant 0 : index
    %get3A_4 = vector.load %arg1[%get3A_2, %get3A_3] : memref<64x128xf32, #tpu.memory_space<vmem>>, vector<64x128xf32>
    %dot_general3A = arith.constant dense<0.000000e+00> : vector<10000x64xf32>
    %dot_general3A_5 = tpu.matmul %get3A_1, %get3A_4, %dot_general3A {dimension_numbers = #tpu.dot_dimension_numbers<[1], [1], [0], [0], [0, 0, 1, 0], [], []>, transpose_lhs_hint = false} : vector<10000x128xf32>, vector<64x128xf32>, vector<10000x64xf32> -> vector<10000x64xf32>
    %swap3A = arith.constant 0 : index
    %swap3A_6 = arith.constant 0 : index
    %swap3A_7 = vector.load %arg2[%swap3A, %swap3A_6] : memref<10000x64xf32, #tpu.memory_space<vmem>>, vector<10000x64xf32>
    tpu.vector_store %arg2[%swap3A, %swap3A_6], %dot_general3A_5 {strides = array<i32>} : memref<10000x64xf32, #tpu.memory_space<vmem>>, vector<10000x64xf32>,
    %convert_element_type3A = arith.truncf %dot_general3A_5 : vector<10000x64xf32> to vector<10000x64xbf16>
    %swap3A_8 = arith.constant 0 : index
    %swap3A_9 = arith.constant 0 : index
    %swap3A_10 = vector.load %arg3[%swap3A_8, %swap3A_9] : memref<10000x64xbf16, #tpu.memory_space<vmem>>, vector<10000x64xbf16>
    tpu.vector_store %arg3[%swap3A_8, %swap3A_9], %convert_element_type3A {strides = array<i32>} : memref<10000x64xbf16, #tpu.memory_space<vmem>>, vector<10000x64xbf16>,
    return
  }
}

module attributes {stable_mosaic.version = 14 : i64} {
  func.func @_fin_body(%arg0: memref<10240x64xbf16, #tpu.memory_space<vmem>>, %arg1: memref<32x10000xi32, #tpu.memory_space<vmem>>, %arg2: memref<10000x64xf32, #tpu.memory_space<vmem>>, %arg3: memref<1x64xf32, #tpu.memory_space<vmem>>, %arg4: memref<1x64xf32, #tpu.memory_space<vmem>>, %arg5: memref<10240x64xf32, #tpu.memory_space<vmem>>) attributes {dimension_semantics = [], scalar_prefetch = 0 : i64, scratch_operands = 0 : i64, tpu.core_type = #tpu.core_type<tc>} {
    %get3A = arith.constant 0 : index
    %get3A_0 = arith.constant 0 : index
    %get3A_1 = vector.load %arg2[%get3A, %get3A_0] : memref<10000x64xf32, #tpu.memory_space<vmem>>, vector<10000x64xf32>
    %get3A_2 = arith.constant 0 : index
    %get3A_3 = arith.constant 0 : index
    %get3A_4 = vector.load %arg1[%get3A_2, %get3A_3] : memref<32x10000xi32, #tpu.memory_space<vmem>>, vector<32x10000xi32>
    %convert_element_type3A = arith.sitofp %get3A_4 : vector<32x10000xi32> to vector<32x10000xf32>
    %reduce_sum3A = arith.constant dense<0.000000e+00> : vector<10000xf32>
    %reduce_sum3A_5 = vector.multi_reduction <add>, %convert_element_type3A, %reduce_sum3A [0] : vector<32x10000xf32> to vector<10000xf32>
    %broadcast_in_dim3A = vector.shape_cast %reduce_sum3A_5 : vector<10000xf32> to vector<1x10000xf32>
    %iota3A = tpu.iota {dimensions = array<i32: 1>} : vector<1x10000xi32>
    %lt3A = arith.constant 7680 : i32
    %lt3A_6 = vector.broadcast %lt3A : i32 to vector<1x10000xi32>
    %lt3A_7 = arith.cmpi slt, %iota3A, %lt3A_6 : vector<1x10000xi32>
    %convert_element_type3A_8 = arith.extui %lt3A_7 : vector<1x10000xi1> to vector<1x10000xi32>
    %convert_element_type3A_9 = arith.sitofp %convert_element_type3A_8 : vector<1x10000xi32> to vector<1x10000xf32>
    %sub3A = arith.subf %broadcast_in_dim3A, %convert_element_type3A_9 : vector<1x10000xf32>
    %dot_general3A = arith.constant dense<0.000000e+00> : vector<1x64xf32>
    %dot_general3A_10 = tpu.matmul %sub3A, %get3A_1, %dot_general3A {dimension_numbers = #tpu.dot_dimension_numbers<[1], [0], [0], [1], [0, 0, 1, 1], [], []>, transpose_lhs_hint = false} : vector<1x10000xf32>, vector<10000x64xf32>, vector<1x64xf32> -> vector<1x64xf32>
    %mul3A = arith.mulf %get3A_1, %get3A_1 : vector<10000x64xf32>
    %dot_general3A_11 = arith.constant dense<0.000000e+00> : vector<1x64xf32>
    %dot_general3A_12 = tpu.matmul %sub3A, %mul3A, %dot_general3A_11 {dimension_numbers = #tpu.dot_dimension_numbers<[1], [0], [0], [1], [0, 0, 1, 1], [], []>, transpose_lhs_hint = false} : vector<1x10000xf32>, vector<10000x64xf32>, vector<1x64xf32> -> vector<1x64xf32>
    %div3A = arith.constant 3.200000e+05 : f32
    %div3A_13 = vector.broadcast %div3A : f32 to vector<1x64xf32>
    %div3A_14 = arith.divf %dot_general3A_10, %div3A_13 : vector<1x64xf32>
    %div3A_15 = arith.constant 3.200000e+05 : f32
    %div3A_16 = vector.broadcast %div3A_15 : f32 to vector<1x64xf32>
    %div3A_17 = arith.divf %dot_general3A_12, %div3A_16 : vector<1x64xf32>
    %mul3A_18 = arith.mulf %div3A_14, %div3A_14 : vector<1x64xf32>
    %sub3A_19 = arith.subf %div3A_17, %mul3A_18 : vector<1x64xf32>
    %get3A_20 = arith.constant 0 : index
    %get3A_21 = arith.constant 0 : index
    %get3A_22 = vector.load %arg3[%get3A_20, %get3A_21] : memref<1x64xf32, #tpu.memory_space<vmem>>, vector<1x64xf32>
    %add3A = arith.constant 9.99999974E-6 : f32
    %add3A_23 = vector.broadcast %add3A : f32 to vector<1x64xf32>
    %add3A_24 = arith.addf %sub3A_19, %add3A_23 : vector<1x64xf32>
    %rsqrt3A = math.rsqrt %add3A_24 : vector<1x64xf32>
    %mul3A_25 = arith.mulf %get3A_22, %rsqrt3A : vector<1x64xf32>
    %get3A_26 = arith.constant 0 : index
    %get3A_27 = arith.constant 0 : index
    %get3A_28 = vector.load %arg4[%get3A_26, %get3A_27] : memref<1x64xf32, #tpu.memory_space<vmem>>, vector<1x64xf32>
    %mul3A_29 = arith.mulf %div3A_14, %mul3A_25 : vector<1x64xf32>
    %sub3A_30 = arith.subf %get3A_28, %mul3A_29 : vector<1x64xf32>
    %get3A_31 = arith.constant 0 : index
    %get3A_32 = arith.constant 0 : index
    %get3A_33 = vector.load %arg0[%get3A_31, %get3A_32] : memref<10240x64xbf16, #tpu.memory_space<vmem>>, vector<10240x64xbf16>
    %convert_element_type3A_34 = arith.extf %get3A_33 : vector<10240x64xbf16> to vector<10240x64xf32>
    %mul3A_35 = vector.broadcast %mul3A_25 : vector<1x64xf32> to vector<10240x64xf32>
    %mul3A_36 = arith.mulf %convert_element_type3A_34, %mul3A_35 : vector<10240x64xf32>
    %add3A_37 = vector.broadcast %sub3A_30 : vector<1x64xf32> to vector<10240x64xf32>
    %add3A_38 = arith.addf %mul3A_36, %add3A_37 : vector<10240x64xf32>
    %ge3A = arith.constant 0.000000e+00 : f32
    %ge3A_39 = vector.broadcast %ge3A : f32 to vector<10240x64xf32>
    %ge3A_40 = arith.cmpf oge, %add3A_38, %ge3A_39 : vector<10240x64xf32>
    %mul3A_41 = arith.constant 1.000000e-01 : f32
    %mul3A_42 = vector.broadcast %mul3A_41 : f32 to vector<10240x64xf32>
    %mul3A_43 = arith.mulf %mul3A_42, %add3A_38 : vector<10240x64xf32>
    %select_n3A = arith.select %ge3A_40, %add3A_38, %mul3A_43 : vector<10240x64xi1>, vector<10240x64xf32>
    %swap3A = arith.constant 0 : index
    %swap3A_44 = arith.constant 0 : index
    %swap3A_45 = vector.load %arg5[%swap3A, %swap3A_44] : memref<10240x64xf32, #tpu.memory_space<vmem>>, vector<10240x64xf32>
    tpu.vector_store %arg5[%swap3A, %swap3A_44], %select_n3A {strides = array<i32>} : memref<10240x64xf32, #tpu.memory_space<vmem>>, vector<10240x64xf32>,
    return
  }
}

</mosaic_0001>

<sc_bundles>
// kernel: kernel.5.cloned.1.call-start
scs
__scs_entry_jumppad:
0x0: {  	(pc) =	sbr.rel $0x88, $3  }
0x1: {  	(tag) =	ssettag $0x0;
	lr =	simm.s32 $0x1  }
0x2: {  	[smem:$0x3F9C] =	sst lr;
	_ =	strace $0xD0000000  }
0x3: {  	_ = 	snop  }
0x4: {  	_ = 	snop  }
0x5: {  	_ = 	snop  }
0x6: {  	_ = 	snop  }
0x7: {  	_ = 	snop  }
__scs_overlays_trampoline_lowered:
0x8: {  	[smem:$0x3FAB] =	sst s0  }
0x9: {  	[smem:$0x3FAC] =	sst s1  }
0xa: {  	[smem:$0x3FAD] =	sst s2  }
0xb: {  	[smem:$0x3FAE] =	sst s3  }
0xc: {  	[smem:$0x3FAF] =	sst s4  }
0xd: {  	[smem:$0x3FB0] =	sst s5  }
0xe: {  	[smem:$0x3FB1] =	sst s6  }
0xf: {  	[smem:$0x3FB2] =	sst s7  }
0x10: {  	[smem:$0x3FB3] =	sst s8  }
0x11: {  	[smem:$0x3FB4] =	sst s9;
	s0 =	simm.s32 @!p0 $0x0  }
0x12: {  	s1 =	sld [smem:$0x3F9A];
	s0 =	simm.s32 @p0 $0x1  }
0x13: {  	[smem:$0x3FB5] =	sst s0;
	s0 =	simm.s32 @!p1 $0x0  }
0x14: {  	s2 =	sld [smem:$0x3F99];
	s0 =	simm.s32 @p1 $0x1  }
0x15: {  	[smem:$0x3FB6] =	sst s0;
	s0 =	simm.s32 @!p2 $0x0  }
0x16: {  	s3 =	sld [smem:$0x3FDB];
	s0 =	simm.s32 @p2 $0x1  }
0x17: {  	s4 =	simm.s32 $0x1BF5;
	[smem:$0x3FB8] =	sst s0  }
0x18: {  	s0 =	sld [smem:$0x3F9B];
	_ =	swait.ge [sflag:s4], $0x0  }
0x19: {  	s7 =	sld [smem:$0x3F9C]  }
0x1a: {  	s8 =	sadd.s32 $0xFFFFE003, lr  }
0x1b: {  	s9 =	sadd.s32 $0xFFFFFEF7, lr;
	s5 =	simm.s32 $0xFFFFFFFF;
	p2 =	slt.u32 s8, $0xFFFFF086  }
0x1c: {  	p1 =	slt.u32 s9, $0xF7A;
	s5 =	simm.s32 @!p2 $0x0  }
0x1d: {  	s5 =	simm.s32 @p1 $0x1;
	p0 =	seq.s32 s7, s2  }
0x1e: {  	s7 =	smul.u32 @!p0 $0xF7A, s2;
	p2 =	seq.s32 @!p0 s5, $0x0  }
0x1f: {  	s9 =	smul.u32 $0xF7A, s1;
	s8 =	simm.s32 @!p0 $0x1BF5;
	p2 =	por !p2, p0  }
0x20: {  	[sflag:s8] =	ssyncset.s32 @!p0 $0xFFFFF086;
	s6 =	sadd.s32 @!p0 s3, s7;
	s7 =	simm.s32 @!p0 $0x108  }
0x21: {  	s3 =	sadd.s32 s3, s9;
	s6 =	sadd.s32 @!p0 $0x88, s6;
	s7 =	simm.s32 @p2 $0x1082  }
0x22: {  	[simem:s7], [sflag:s8] =	dma.local @!p0 [hbm:s6], $0xF7A  }
0x23: {  	s9 =	sor.u32 $0xD0000000, s2;
	s6 =	simm.s32 $0x108;
	_ =	swait.ge @!p0 [sflag:s8], $0x0  }
0x24: {  	s3 =	sadd.s32 $0x88, s3;
	s6 =	simm.s32 @!p1 $0x1082;
	[sflag:s4] =	ssyncset.s32 $0xFFFFF086  }
0x25: {  	[simem:s6], [sflag:s4] =	dma.local [hbm:s3], $0xF7A  }
0x26: {  	[smem:$0x3F9C] =	sst s1;
	(tag) =	ssettag s2;
	_ =	strace s9  }
0x27: {  	s1 =	sld [smem:$0x3FAC]  }
0x28: {  	s2 =	sld [smem:$0x3FAD]  }
0x29: {  	s4 =	sld [smem:$0x3FAF]  }
0x2a: {  	p0 =	seq.s32 s5, $0x0;
	s5 =	sld [smem:$0x3FB0]  }
0x2b: {  	s6 =	sld [smem:$0x3FB1]  }
0x2c: {  	s7 =	sld [smem:$0x3FB2]  }
0x2d: {  	s3 =	simm.s32 $0x108;
	s8 =	sld [smem:$0x3FB3]  }
0x2e: {  	s3 =	simm.s32 @!p0 $0x1082;
	s9 =	sld [smem:$0x3FB4]  }
0x2f: {  	lr =	sadd.s32 s0, s3;
	s0 =	sld [smem:$0x3FAB]  }
0x30: {  	s3 =	sld [smem:$0x3FAE]  }
0x31: {  	[smem:$0x3FB7] =	sst s10  }
0x32: {  	s10 =	sld [smem:$0x3FB5];
	_ =	sdelay $0x3  }
0x33: {  	p0 =	seq.s32 s10, $0x1;
	s10 =	sld [smem:$0x3FB7];
	_ =	sdelay $0x3  }
0x34: {  	[smem:$0x3FB7] =	sst s10  }
0x35: {  	s10 =	sld [smem:$0x3FB6];
	_ =	sdelay $0x3  }
0x36: {  	p1 =	seq.s32 s10, $0x1;
	s10 =	sld [smem:$0x3FB7];
	_ =	sdelay $0x3  }
0x37: {  	[smem:$0x3FB7] =	sst s10  }
0x38: {  	s10 =	sld [smem:$0x3FB8]  }
0x39: {  	_ = 	snop;
	(pc) =	sbr.ind lr, $3  }
0x3a: {  	_ = 	snop  }
0x3b: {  	_ = 	snop  }
0x3c: {  	p2 =	seq.s32 s10, $0x1;
	s10 =	sld [smem:$0x3FB7]  }
0x3d: {  	_ =	shalt  }
0x3e: {  	_ =	shalt  }
0x3f: {  	_ =	shalt  }
0x40: {  	_ =	shalt  }
0x41: {  	_ =	shalt  }
0x42: {  	_ =	shalt  }
0x43: {  	_ =	shalt  }
0x44: {  	_ =	shalt  }
0x45: {  	_ =	shalt  }
0x46: {  	_ =	shalt  }
0x47: {  	_ =	shalt  }
0x48: {  	_ =	shalt  }
0x49: {  	_ =	shalt  }
0x4a: {  	_ =	shalt  }
0x4b: {  	_ =	shalt  }
0x4c: {  	_ =	shalt  }
0x4d: {  	_ =	shalt  }
0x4e: {  	_ =	shalt  }
0x4f: {  	_ =	shalt  }
0x50: {  	_ =	shalt  }
0x51: {  	_ =	shalt  }
0x52: {  	_ =	shalt  }
0x53: {  	_ =	shalt  }
0x54: {  	_ =	shalt  }
0x55: {  	_ =	shalt  }
0x56: {  	_ =	shalt  }
0x57: {  	_ =	shalt  }
0x58: {  	_ =	shalt  }
0x59: {  	_ =	shalt  }
0x5a: {  	_ =	shalt  }
0x5b: {  	_ =	shalt  }
0x5c: {  	_ =	shalt  }
0x5d: {  	_ =	shalt  }
0x5e: {  	_ =	shalt  }
0x5f: {  	_ =	shalt  }
0x60: {  	_ =	shalt  }
0x61: {  	_ =	shalt  }
0x62: {  	_ =	shalt  }
0x63: {  	_ =	shalt  }
0x64: {  	_ =	shalt  }
0x65: {  	_ =	shalt  }
0x66: {  	_ =	shalt  }
0x67: {  	_ =	shalt  }
0x68: {  	_ =	shalt  }
0x69: {  	_ =	shalt  }
0x6a: {  	_ =	shalt  }
0x6b: {  	_ =	shalt  }
0x6c: {  	_ =	shalt  }
0x6d: {  	_ =	shalt  }
0x6e: {  	_ =	shalt  }
0x6f: {  	_ =	shalt  }
0x70: {  	_ =	shalt  }
0x71: {  	_ =	shalt  }
0x72: {  	_ =	shalt  }
0x73: {  	_ =	shalt  }
0x74: {  	_ =	shalt  }
0x75: {  	_ =	shalt  }
0x76: {  	_ =	shalt  }
0x77: {  	_ =	shalt  }
0x78: {  	_ =	shalt  }
0x79: {  	_ =	shalt  }
0x7a: {  	_ =	shalt  }
0x7b: {  	_ =	shalt  }
0x7c: {  	_ =	shalt  }
0x7d: {  	_ =	shalt  }
0x7e: {  	_ =	shalt  }
0x7f: {  	_ =	shalt  }
0x80: {  	_ =	shalt  }
0x81: {  	_ =	shalt  }
0x82: {  	_ =	shalt  }
0x83: {  	_ =	shalt  }
0x84: {  	_ =	shalt  }
0x85: {  	_ =	shalt  }
0x86: {  	_ =	shalt  }
0x87: {  	_ =	shalt  }
.Lfunc_end0:
.L_simem_size_0:
called_computation_lowered:
.L_overlay_start_0:
0x88: {  	s2 =	sld [smem:$0x3FD9]  }
0x89: {  	s3 =	sld [smem:$0x3FFE];
	_ =	sdelay $0x1  }
0x8a: {  	s1 =	srdreg.scid  }
0x8b: {  	s0 =	sand.u32 $0x1, s1  }
0x8c: {  	s17 =	sshll.u32 s0, $0xA;
	s2 =	sadd.s32 s3, s2  }
0x8d: {  	s2 =	sadd.s32 s2, s17  }
0x8e: {  	[smem:$0x3FC3] =	sst s2  }
0x8f: {  	_ = 	snop  }
0x90: {  	s2 =	sld [smem:$0x3FD0];
	(tm) =	ssettm $0x1  }
0x91: {  	s18 =	sld [smem:$0x3FFB];
	_ =	sdelay $0x3  }
0x92: {  	_ =	strace s18  }
0x93: {  	s3 =	sld [smem:$0x3FFC];
	_ =	sdelay $0x3  }
0x94: {  	_ =	strace s3  }
0x95: {  	s3 =	sld [smem:$0x3FFD];
	_ =	sdelay $0x3  }
0x96: {  	_ =	strace s3  }
0x97: {  	_ =	strace $0x8FFFFFFF  }
0x98: {  	s19 =	sld [smem:$0x3FDB];
	_ =	sdelay $0x1  }
0x99: {  	s4 =	simm.s32 $_scs_section_size  }
0x9a: {  	s5 =	simm.s32 $_size__tile_overlayer_lowered;
	s6 =	simm.s32 $_tile_overlayer_lowered  }
0x9b: {  	s22 =	simm.s32 $0x1BFF;
	s21 =	sshll.u32 s6, $0x1;
	s3 =	sadd.s32 s4, s19  }
0x9c: {  	s7 =	simm.s32 $0x0;
	s20 =	sshll.u32 s5, $0x1;
	s5 =	sadd.s32 s21, s3  }
0x9d: {  	[timem:s7], [sflag:s22] =	dma.local [hbm:s5], s20  }
0x9e: {  	_ =	swait.ge [sflag:s22], s20  }
0x9f: {  	s4 =	ssub.s32 $0x0, s20;
	[sflag:s22] =	ssyncset.done $0x0  }
0xa0: {  	[sflag:s22] =	ssyncadd.s32 s4;
	_ =	sdelay $0x1  }
0xa1: {  	s23 =	simm.s32 $0x1B8B  }
0xa2: {  	_ =	swait.ge [sflag:s23], $0x1  }
0xa3: {  	[sflag:s23] =	ssyncset.done $0x0  }
0xa4: {  	s25 =	simm.s32 $0x1B8E;
	s24 =	sld [smem:$0x3FFE];
	[sflag:s23] =	ssyncadd.s32 $0xFFFFFFFF  }
0xa5: {  	s26 =	simm.s32 $execute0_lowered;
	[smem:$0x3FD2] =	sst s25  }
0xa6: {  	s5 =	sshll.u32 s26, $0x1;
	_ =	strace $0x80000046;
	[dreg:$0x1] =	wrdreg $0xFFFFFFFF  }
0xa7: {  	s28 =	simm.s32 $_size_execute0_lowered;
	s3 =	sadd.s32 s3, s5;
	[dreg:$0x0] =	wrdreg $0x0  }
0xa8: {  	s5 =	sshll.u32 s28, $0x1;
	[dreg:$0x2] =	wrdreg s3  }
0xa9: {  	[dreg:$0x3] =	wrdreg s5  }
0xaa: {  	[dreg:$0x4] =	wrdreg $0xC0  }
0xab: {  	_ =	task [dreg:s7], $0x5FFFF  }
0xac: {  	[dreg:$0x1] =	wrdreg $0xFFFFFFFF  }
0xad: {  	[dreg:$0x0] =	wrdreg $0x60  }
0xae: {  	[dreg:$0x2] =	wrdreg s2  }
0xaf: {  	[dreg:$0x3] =	wrdreg s24  }
0xb0: {  	[dreg:$0x4] =	wrdreg $0x28000  }
0xb1: {  	[dreg:$0x5] =	wrdreg $0x9  }
0xb2: {  	_ =	task.clear_ibuf [dreg:s7], $0x6FFFF;
	_ =	strace $0x90000046  }
0xb3: {  	s29 =	simm.s32 $0x9;
	_ =	strace $0x80000048  }
0xb4: {  	_ =	swait.ge [sflag:s29], $0x1  }
0xb5: {  	[sflag:s29] =	ssyncadd.s32 $0xFFFFFFFF  }
0xb6: {  	_ =	strace $0x90000048  }
0xb7: {  	_ =	sfence  }
0xb8: {  	s30 =	sld [smem:$0x0];
	_ =	sdelay $0x2  }
0xb9: {  	s31 =	sshll.u32 s1, $0xD;
	s1 =	sshrl.u32 s1, $0x2  }
0xba: {  	s3 =	sand.u32 $0x4000, s31;
	s1 =	sadd.s32 s1, s30  }
0xbb: {  	s0 =	sor.u32 s3, s0;
	s1 =	sshll.u32 s1, $0x11  }
0xbc: {  	s0 =	sor.u32 s1, s0  }
0xbd: {  	s0 =	sadd.s32 $0x8F2B, s0  }
0xbe: {  	[sflag:s0] =	ssyncadd.remote.s32 $0x1  }
0xbf: {  	_ =	sfence.sel $0xFFFF  }
0xc0: {  	[dreg:$0x0] =	wrdreg $0xFFFFFFFF;
	(pc) =	sbr.abs _section_cstart, $3  }
0xc1: {  	[dreg:$0x1] =	wrdreg $0xFFFFFFFF  }
0xc2: {  	_ =	task.clear_ibuf [dreg:s7], $0x2FFFF;
	_ =	strace $0x9FFFFFFF  }
0xc3: {  	(tm) =	ssettm $0x7FFFFFFF  }
tec
execute0_lowered:
.L_overlay_start_1:
0x0: {  	(tag) =	ssettag $0x1  }
0x1: {  	s6 =	rddreg [dreg:$0x0]  }
0x2: {  	s4 =	rddreg [dreg:$0x1]  }
0x3: {  	s2 =	rddreg [dreg:$0x2]  }
0x4: {  	s0 =	rddreg [dreg:$0x3]  }
0x5: {  	s1 =	stileid.u32;
	s5 =	srdreg.scid  }
0x6: {  	s3 =	simm.s32 $0x0;
	s15 =	simm.s32 $0xDE20;
	s16 =	simm.s32 $0x1  }
0x7: {  	s17 =	simm.s32 $0x2;
	s18 =	simm.s32 $0xB620;
	s19 =	simm.s32 $0x0  }
0x8: {  	s5 =	sand.u32 $0x1, s5;
	s7 =	sshll.u32 s1, $0x1;
	[smem:$0x7FF] =	sst s3  }
0x9: {  	s8 =	smul.u32 $0x9C40, s1;
	s31 =	sshll.u32 s1, $0x6;
	s7 =	sor.u32 s5, s7  }
0xa: {  	_ =	strace $0x80000047;
	s5 =	ssub.s32 $0x2, s5;
	s9 =	smul.u32 $0x500, s7  }
0xb: {  	s10 =	sshrl.u32 s8, $0x4;
	s7 =	smul.u32 $0x4E2, s7;
	s12 =	sshrl.u32 s5, $0x1  }
0xc: {  	s30 =	sshrl.u32 s8, $0x1;
	s10 =	sadd.s32 s10, s4;
	s12 =	ssub.s32 s5, s12  }
.Ltmp0:
0xd: {  	s14 =	sadd.s32 s30, s2;
	s5 =	sor.u32 $0x1C03, s31;
	(pc) =	sbr.rel .LBB2_1-.Ltmp0, $4  }
0xe: {  	s11 =	sadd.s32 s9, s4;
	s13 =	sadd.s32 s7, s4;
	s4 =	sadd.s32 $0x1400, s10  }
0xf: {  	s6 =	sadd.s32 s6, s9;
	s9 =	smax.u32 s12, $0x1;
	s10 =	sshrl.u32 s14, $0x3  }
0x10: {  	s12 =	simm.s32 $0x100;
	s14 =	simm.s32 $0x9620;
	s7 =	sadd.s32 $0xB200, s11  }
0x11: {  	v0 =	vimm.s32 $0x0;
	s8 =	sadd.s32 $0x15200, s13;
	s11 =	simm.s32 $0x3;
	s13 =	simm.s32 $0x7620  }
.LBB2_12:
0x12: {  	[hbm4b:s7+s3] =	stream.linear.scatter [tilespmem:s18], [sflag:$0x3], $0x2800, $0x38;
	[tilespmem:$0x10530] =	vst v63  }
0x13: {  	s19 =	sadd.s32 $0x1, s19;
	_ =	swait.ge [sflag:s11], $0x2800  }
0x14: {  	p0 =	sne.s32 s19, s9;
	[sflag:s11] =	ssyncset.done $0x0  }
.Ltmp1:
0x15: {  	[sflag:s11] =	ssyncadd.s32 $0xFFFFD800;
	(pc) =	sbr.rel @!p0 .LBB2_13-.Ltmp1, $4  }
0x16: {  	[hbm4b:s8+s3] =	stream.linear.scatter [tilespmem:s15], [sflag:$0x3], $0x2710, $0x38;
	[tilespmem:$0x10530] =	vst v63  }
0x17: {  	_ =	swait.ge [sflag:s11], $0x2710  }
0x18: {  	[sflag:s11] =	ssyncset.done $0x0  }
0x19: {  	[sflag:s11] =	ssyncadd.s32 $0xFFFFD8F0  }
.LBB2_1:
0x1a: {  	[spmem:s10], [sflag:s5] =	dma.local [hbm:s4], $0x9C4  }
0x1b: {  	_ =	swait.ge [sflag:s11], $0x9C4  }
0x1c: {  	[sflag:s11] =	ssyncset.done $0x0  }
0x1d: {  	[sflag:s11] =	ssyncadd.s32 $0xFFFFF63C  }
0x1e: {  	[tilespmem:s3], [sflag:$0x3] =	stream.linear.gather [hbm4b:s6+s3], $0x2800, $0x38;
	[tilespmem:$0x10530] =	vst v63  }
0x1f: {  	_ =	swait.ge [sflag:s11], $0x2800  }
0x20: {  	[sflag:s11] =	ssyncset.done $0x0  }
0x21: {  	[sflag:s11] =	ssyncadd.s32 $0xFFFFD800  }
0x22: {  	[bflag:$0x0] =	sbarrier.arrive $0xFFFF  }
0x23: {  	[tilespmem:s13], [sflag:$0x1] =	stream.indirect.gather [spmem:s2], $0x20, s3, s12, $0xb8;
	[tilespmem:$0x10530] =	vst v63  }
0x24: {  	s20 =	simm.s32 $0x40;
	s21 =	simm.s32 $0x0  }
0x25: {  	[tilespmem:s14], [sflag:$0x2] =	stream.indirect.gather [spmem:s2], $0x20, s12, s12, $0xb8;
	[tilespmem:$0x10530] =	vst v63  }
.LBB2_2:
0x26: {  	p0 =	sne.s32 s20, $0x9C00;
	[tilespmem:s21+$0xDE20] =	vst v0;
	s21 =	smov.u32 s20;
	s20 =	sadd.s32 $0x40, s20  }
.Ltmp2:
0x27: {  	(pc) =	sbr.rel @p0 .LBB2_2-.Ltmp2, $2  }
0x28: {  	_ =	sdelay $0x2  }
0x29: {  	s21 =	sshra.s32 s21, $0x2  }
0x2a: {  	[tilespmem:s21+$0xDE20] =	vst v0;
	s20 =	simm.s32 $0x0;
	s21 =	simm.s32 $0x0  }
.LBB2_4:
0x2b: {  	s22 =	sshra.s32 s21, $0x2  }
0x2c: {  	v1 =	vld [tilespmem:s22+$0x0];
	_ =	sdelay $0x4  }
0x2d: {  	(xrf1) =	vunique.msk.u32 $0xffff, v1;
	_ =	sdelay $0xd  }
0x2e: {  	_, v2, vm0 =	vpop (xrf1);
	_ =	sdelay $0x5  }
0x2f: {  	[tilespmem:v1+s15+$0x0] =	vst.idx.add.s32.msk vm0, v2  }
0x30: {  	v1 =	vld [tilespmem:s22+$0x10];
	_ =	sdelay $0x4  }
0x31: {  	(xrf1) =	vunique.msk.u32 $0xffff, v1;
	_ =	sdelay $0xd  }
0x32: {  	_, v2, vm0 =	vpop (xrf1);
	_ =	sdelay $0x5  }
0x33: {  	[tilespmem:v1+s15+$0x0] =	vst.idx.add.s32.msk vm0, v2  }
0x34: {  	v1 =	vld [tilespmem:s22+$0x20];
	_ =	sdelay $0x4  }
0x35: {  	(xrf1) =	vunique.msk.u32 $0xffff, v1;
	_ =	sdelay $0xd  }
0x36: {  	_, v2, vm0 =	vpop (xrf1);
	_ =	sdelay $0x5  }
0x37: {  	[tilespmem:v1+s15+$0x0] =	vst.idx.add.s32.msk vm0, v2  }
0x38: {  	v1 =	vld [tilespmem:s22+$0x30];
	_ =	sdelay $0x4  }
0x39: {  	(xrf1) =	vunique.msk.u32 $0xffff, v1;
	_ =	sdelay $0xd  }
0x3a: {  	_, v2, vm0 =	vpop (xrf1);
	_ =	sdelay $0x5  }
0x3b: {  	[tilespmem:v1+s15+$0x0] =	vst.idx.add.s32.msk vm0, v2  }
0x3c: {  	v1 =	vld [tilespmem:s22+$0x40];
	_ =	sdelay $0x4  }
0x3d: {  	(xrf1) =	vunique.msk.u32 $0xffff, v1;
	_ =	sdelay $0xd  }
0x3e: {  	_, v2, vm0 =	vpop (xrf1);
	_ =	sdelay $0x5  }
0x3f: {  	[tilespmem:v1+s15+$0x0] =	vst.idx.add.s32.msk vm0, v2  }
0x40: {  	v1 =	vld [tilespmem:s22+$0x50];
	_ =	sdelay $0x4  }
0x41: {  	(xrf1) =	vunique.msk.u32 $0xffff, v1;
	_ =	sdelay $0xd  }
0x42: {  	_, v2, vm0 =	vpop (xrf1);
	_ =	sdelay $0x5  }
0x43: {  	[tilespmem:v1+s15+$0x0] =	vst.idx.add.s32.msk vm0, v2  }
0x44: {  	v1 =	vld [tilespmem:s22+$0x60];
	_ =	sdelay $0x4  }
0x45: {  	(xrf1) =	vunique.msk.u32 $0xffff, v1;
	_ =	sdelay $0xd  }
0x46: {  	_, v2, vm0 =	vpop (xrf1);
	_ =	sdelay $0x5  }
0x47: {  	[tilespmem:v1+s15+$0x0] =	vst.idx.add.s32.msk vm0, v2  }
0x48: {  	v1 =	vld [tilespmem:s22+$0x70];
	_ =	sdelay $0x4  }
0x49: {  	(xrf1) =	vunique.msk.u32 $0xffff, v1;
	_ =	sdelay $0xd  }
0x4a: {  	_, v2, vm0 =	vpop (xrf1);
	_ =	sdelay $0x5  }
0x4b: {  	[tilespmem:v1+s15+$0x0] =	vst.idx.add.s32.msk vm0, v2  }
0x4c: {  	v1 =	vld [tilespmem:s22+$0x80];
	_ =	sdelay $0x4  }
0x4d: {  	(xrf1) =	vunique.msk.u32 $0xffff, v1;
	_ =	sdelay $0xd  }
0x4e: {  	_, v2, vm0 =	vpop (xrf1);
	_ =	sdelay $0x5  }
0x4f: {  	[tilespmem:v1+s15+$0x0] =	vst.idx.add.s32.msk vm0, v2  }
0x50: {  	v1 =	vld [tilespmem:s22+$0x90];
	_ =	sdelay $0x4  }
0x51: {  	(xrf1) =	vunique.msk.u32 $0xffff, v1;
	_ =	sdelay $0xd  }
0x52: {  	_, v2, vm0 =	vpop (xrf1);
	_ =	sdelay $0x5  }
0x53: {  	[tilespmem:v1+s15+$0x0] =	vst.idx.add.s32.msk vm0, v2  }
0x54: {  	v1 =	vld [tilespmem:s22+$0xA0];
	_ =	sdelay $0x4  }
0x55: {  	(xrf1) =	vunique.msk.u32 $0xffff, v1;
	_ =	sdelay $0xd  }
0x56: {  	_, v2, vm0 =	vpop (xrf1);
	_ =	sdelay $0x5  }
0x57: {  	[tilespmem:v1+s15+$0x0] =	vst.idx.add.s32.msk vm0, v2  }
0x58: {  	v1 =	vld [tilespmem:s22+$0xB0];
	_ =	sdelay $0x4  }
0x59: {  	(xrf1) =	vunique.msk.u32 $0xffff, v1;
	_ =	sdelay $0xd  }
0x5a: {  	_, v2, vm0 =	vpop (xrf1);
	_ =	sdelay $0x5  }
0x5b: {  	[tilespmem:v1+s15+$0x0] =	vst.idx.add.s32.msk vm0, v2  }
0x5c: {  	v1 =	vld [tilespmem:s22+$0xC0];
	_ =	sdelay $0x4  }
0x5d: {  	(xrf1) =	vunique.msk.u32 $0xffff, v1;
	_ =	sdelay $0xd  }
0x5e: {  	_, v2, vm0 =	vpop (xrf1);
	_ =	sdelay $0x5  }
0x5f: {  	[tilespmem:v1+s15+$0x0] =	vst.idx.add.s32.msk vm0, v2  }
0x60: {  	v1 =	vld [tilespmem:s22+$0xD0];
	_ =	sdelay $0x4  }
0x61: {  	(xrf1) =	vunique.msk.u32 $0xffff, v1;
	_ =	sdelay $0xd  }
0x62: {  	_, v2, vm0 =	vpop (xrf1);
	_ =	sdelay $0x5  }
0x63: {  	[tilespmem:v1+s15+$0x0] =	vst.idx.add.s32.msk vm0, v2  }
0x64: {  	v1 =	vld [tilespmem:s22+$0xE0];
	_ =	sdelay $0x4  }
0x65: {  	(xrf1) =	vunique.msk.u32 $0xffff, v1;
	_ =	sdelay $0xd  }
0x66: {  	_, v2, vm0 =	vpop (xrf1);
	_ =	sdelay $0x5  }
0x67: {  	[tilespmem:v1+s15+$0x0] =	vst.idx.add.s32.msk vm0, v2  }
0x68: {  	v1 =	vld [tilespmem:s22+$0xF0];
	_ =	sdelay $0x4  }
0x69: {  	(xrf1) =	vunique.msk.u32 $0xffff, v1;
	_ =	sdelay $0xd  }
0x6a: {  	_, v2, vm0 =	vpop (xrf1)  }
0x6b: {  	p0 =	sne.s32 s21, $0x9C00  }
.Ltmp3:
0x6c: {  	_ = 	snop;
	(pc) =	sbr.rel @p0 .LBB2_4-.Ltmp3, $2  }
0x6d: {  	_ =	sdelay $0x2  }
0x6e: {  	s21 =	sadd.s32 $0x400, s21;
	[tilespmem:v1+s15+$0x0] =	vst.idx.add.s32.msk vm0, v2  }
0x6f: {  	s21 =	simm.s32 $0xB630;
	s22 =	simm.s32 $0xB730  }
.LBB2_6:
0x70: {  	_ =	swait.ge [sflag:s16], $0x2000  }
0x71: {  	[sflag:s16] =	ssyncset.done $0x0  }
0x72: {  	s24 =	simm.s32 $0x7820;
	[sflag:s16] =	ssyncadd.s32 $0xFFFFE000  }
0x73: {  	v1 =	vld [tilespmem:s24+$0x1E0]  }
0x74: {  	v2 =	vld [tilespmem:s24+$0x1C0]  }
0x75: {  	v3 =	vld [tilespmem:s24+$0x1A0]  }
0x76: {  	v5 =	vld [tilespmem:s24+$0x180]  }
0x77: {  	v6 =	vld [tilespmem:s24+$0x160]  }
0x78: {  	v7 =	vld [tilespmem:s24+$0x140]  }
0x79: {  	v8 =	vld [tilespmem:s24+$0x120]  }
0x7a: {  	v9 =	vld [tilespmem:s24+$0x100]  }
0x7b: {  	v10 =	vld [tilespmem:s24+$0xE0]  }
0x7c: {  	v11 =	vld [tilespmem:s24+$0xC0]  }
0x7d: {  	v12 =	vld [tilespmem:s24+$0xA0]  }
0x7e: {  	v13 =	vld [tilespmem:s24+$0x80]  }
0x7f: {  	v14 =	vld [tilespmem:s24+$0x60]  }
0x80: {  	v15 =	vld [tilespmem:s24+$0x40]  }
0x81: {  	v16 =	vld [tilespmem:s24+$0x20]  }
0x82: {  	v17 =	vld [tilespmem:s24+$0x0]  }
0x83: {  	v18 =	vld [tilespmem:s24+$0xFFFFFFE0]  }
0x84: {  	v19 =	vld [tilespmem:s24+$0xFFFFFFC0]  }
0x85: {  	v20 =	vld [tilespmem:s24+$0xFFFFFFA0]  }
0x86: {  	v21 =	vld [tilespmem:s24+$0xFFFFFF80]  }
0x87: {  	v22 =	vld [tilespmem:s24+$0xFFFFFF60]  }
0x88: {  	v23 =	vld [tilespmem:s24+$0xFFFFFF40]  }
0x89: {  	v24 =	vld [tilespmem:s24+$0xFFFFFF20]  }
0x8a: {  	v25 =	vld [tilespmem:s24+$0xFFFFFF00]  }
0x8b: {  	v26 =	vld [tilespmem:s24+$0xFFFFFEE0]  }
0x8c: {  	v27 =	vld [tilespmem:s24+$0xFFFFFEC0]  }
0x8d: {  	v28 =	vld [tilespmem:s24+$0xFFFFFEA0]  }
0x8e: {  	v29 =	vld [tilespmem:s24+$0xFFFFFE80]  }
0x8f: {  	v30 =	vld [tilespmem:s24+$0xFFFFFE60]  }
0x90: {  	v31 =	vld [tilespmem:s24+$0xFFFFFE40]  }
0x91: {  	v32 =	vld [tilespmem:s24+$0xFFFFFE30]  }
0x92: {  	v33 =	vld [tilespmem:s24+$0xFFFFFE20]  }
0x93: {  	v34 =	vld [tilespmem:s24+$0xFFFFFE00]  }
0x94: {  	s23 =	sshll.u32 s20, $0xB;
	s25 =	simm.s32 $0x0;
	v4 =	vmov s21;
	s26 =	simm.s32 $0x80;
	v35 =	vld [tilespmem:s24+$0xFFFFFE10]  }
.LBB2_7:
0x95: {  	p0 =	sne.s32 s26, $0x380;
	v36 =	vld [tilespmem:s24+$0xFFFFFE50]  }
0x96: {  	v37 =	vld [tilespmem:s24+$0xFFFFFE70]  }
0x97: {  	v38 =	vld [tilespmem:s24+$0xFFFFFE90]  }
0x98: {  	v33 =	vmax.bf16 v34, v33;
	v34 =	vld [tilespmem:s24+$0xFFFFFEB0]  }
0x99: {  	v32 =	vmax.bf16 v35, v32;
	v31 =	vmax.bf16 v33, v31;
	v33 =	vld [tilespmem:s24+$0xFFFFFED0]  }
0x9a: {  	v32 =	vmax.bf16 v32, v36;
	v30 =	vmax.bf16 v31, v30;
	v31 =	vld [tilespmem:s24+$0xFFFFFEF0]  }
0x9b: {  	v32 =	vmax.bf16 v32, v37;
	v29 =	vmax.bf16 v30, v29;
	v30 =	vld [tilespmem:s24+$0xFFFFFF10]  }
0x9c: {  	v32 =	vmax.bf16 v32, v38;
	v28 =	vmax.bf16 v29, v28;
	v29 =	vld [tilespmem:s24+$0xFFFFFF30]  }
0x9d: {  	v32 =	vmax.bf16 v32, v34;
	v27 =	vmax.bf16 v28, v27;
	v28 =	vld [tilespmem:s24+$0xFFFFFF50]  }
0x9e: {  	v32 =	vmax.bf16 v32, v33;
	v26 =	vmax.bf16 v27, v26;
	v27 =	vld [tilespmem:s24+$0xFFFFFF70]  }
0x9f: {  	v31 =	vmax.bf16 v32, v31;
	v25 =	vmax.bf16 v26, v25;
	v26 =	vld [tilespmem:s24+$0xFFFFFF90]  }
0xa0: {  	v30 =	vmax.bf16 v31, v30;
	v24 =	vmax.bf16 v25, v24;
	v25 =	vld [tilespmem:s24+$0xFFFFFFB0]  }
0xa1: {  	v29 =	vmax.bf16 v30, v29;
	v23 =	vmax.bf16 v24, v23;
	v24 =	vld [tilespmem:s24+$0xFFFFFFD0]  }
0xa2: {  	v28 =	vmax.bf16 v29, v28;
	v22 =	vmax.bf16 v23, v22;
	v23 =	vld [tilespmem:s24+$0xFFFFFFF0]  }
0xa3: {  	v27 =	vmax.bf16 v28, v27;
	v21 =	vmax.bf16 v22, v21;
	v22 =	vld [tilespmem:s24+$0x10]  }
0xa4: {  	v26 =	vmax.bf16 v27, v26;
	v20 =	vmax.bf16 v21, v20;
	v21 =	vld [tilespmem:s24+$0x30]  }
0xa5: {  	v25 =	vmax.bf16 v26, v25;
	v19 =	vmax.bf16 v20, v19;
	v20 =	vld [tilespmem:s24+$0x50]  }
0xa6: {  	v24 =	vmax.bf16 v25, v24;
	v18 =	vmax.bf16 v19, v18;
	v19 =	vld [tilespmem:s24+$0x70]  }
0xa7: {  	v23 =	vmax.bf16 v24, v23;
	v17 =	vmax.bf16 v18, v17;
	v18 =	vld [tilespmem:s24+$0x90]  }
0xa8: {  	v22 =	vmax.bf16 v23, v22;
	v16 =	vmax.bf16 v17, v16;
	v17 =	vld [tilespmem:s24+$0xB0]  }
0xa9: {  	v21 =	vmax.bf16 v22, v21;
	v15 =	vmax.bf16 v16, v15;
	v16 =	vld [tilespmem:s24+$0xD0]  }
0xaa: {  	v20 =	vmax.bf16 v21, v20;
	v14 =	vmax.bf16 v15, v14;
	v15 =	vld [tilespmem:s24+$0xF0]  }
0xab: {  	v19 =	vmax.bf16 v20, v19;
	v13 =	vmax.bf16 v14, v13;
	v14 =	vld [tilespmem:s24+$0x110]  }
0xac: {  	v18 =	vmax.bf16 v19, v18;
	v12 =	vmax.bf16 v13, v12;
	v13 =	vld [tilespmem:s24+$0x130]  }
0xad: {  	v17 =	vmax.bf16 v18, v17;
	v11 =	vmax.bf16 v12, v11;
	v12 =	vld [tilespmem:s24+$0x150]  }
0xae: {  	v16 =	vmax.bf16 v17, v16;
	v10 =	vmax.bf16 v11, v10;
	v11 =	vld [tilespmem:s24+$0x170]  }
0xaf: {  	v15 =	vmax.bf16 v16, v15;
	v9 =	vmax.bf16 v10, v9;
	v10 =	vld [tilespmem:s24+$0x190]  }
0xb0: {  	v14 =	vmax.bf16 v15, v14;
	v8 =	vmax.bf16 v9, v8;
	v9 =	vld [tilespmem:s24+$0x1B0]  }
0xb1: {  	v13 =	vmax.bf16 v14, v13;
	v7 =	vmax.bf16 v8, v7;
	v8 =	vld [tilespmem:s24+$0x1D0]  }
0xb2: {  	v12 =	vmax.bf16 v13, v12;
	v6 =	vmax.bf16 v7, v6;
	v7 =	vld [tilespmem:s24+$0x1F0]  }
0xb3: {  	v11 =	vmax.bf16 v12, v11;
	v5 =	vmax.bf16 v6, v5  }
0xb4: {  	v6 =	vmax.bf16 v11, v10;
	v3 =	vmax.bf16 v5, v3  }
0xb5: {  	v5 =	vmax.bf16 v6, v9;
	v2 =	vmax.bf16 v3, v2  }
0xb6: {  	s28 =	sshra.s32 s25, $0x2;
	s25 =	smov.u32 s26;
	v3 =	vmax.bf16 v5, v8;
	v1 =	vmax.bf16 v2, v1  }
0xb7: {  	v2 =	vmax.bf16 v3, v7;
	[tilespmem:v4+s28+$0xFFFFFFF0 ss:$0x1] =	vst.idx.msk $0xffff, v1  }
0xb8: {  	s24 =	sadd.s32 $0x400, s24;
	[tilespmem:v4+s28+$0x0 ss:$0x1] =	vst.idx.msk $0xffff, v2  }
0xb9: {  	v1 =	vld [tilespmem:s24+$0x1E0]  }
0xba: {  	v2 =	vld [tilespmem:s24+$0x1C0]  }
0xbb: {  	v3 =	vld [tilespmem:s24+$0x1A0]  }
0xbc: {  	v5 =	vld [tilespmem:s24+$0x180]  }
0xbd: {  	v6 =	vld [tilespmem:s24+$0x160]  }
0xbe: {  	v7 =	vld [tilespmem:s24+$0x140]  }
0xbf: {  	v8 =	vld [tilespmem:s24+$0x120]  }
0xc0: {  	v9 =	vld [tilespmem:s24+$0x100]  }
0xc1: {  	v10 =	vld [tilespmem:s24+$0xE0]  }
0xc2: {  	v11 =	vld [tilespmem:s24+$0xC0]  }
0xc3: {  	v12 =	vld [tilespmem:s24+$0xA0]  }
0xc4: {  	v13 =	vld [tilespmem:s24+$0x80]  }
0xc5: {  	v14 =	vld [tilespmem:s24+$0x60]  }
0xc6: {  	v15 =	vld [tilespmem:s24+$0x40]  }
0xc7: {  	v16 =	vld [tilespmem:s24+$0x20]  }
0xc8: {  	v17 =	vld [tilespmem:s24+$0x0]  }
0xc9: {  	v18 =	vld [tilespmem:s24+$0xFFFFFFE0]  }
0xca: {  	v19 =	vld [tilespmem:s24+$0xFFFFFFC0]  }
0xcb: {  	v20 =	vld [tilespmem:s24+$0xFFFFFFA0]  }
0xcc: {  	v21 =	vld [tilespmem:s24+$0xFFFFFF80]  }
0xcd: {  	v22 =	vld [tilespmem:s24+$0xFFFFFF60]  }
0xce: {  	v23 =	vld [tilespmem:s24+$0xFFFFFF40]  }
0xcf: {  	v24 =	vld [tilespmem:s24+$0xFFFFFF20]  }
0xd0: {  	v25 =	vld [tilespmem:s24+$0xFFFFFF00]  }
0xd1: {  	v26 =	vld [tilespmem:s24+$0xFFFFFEE0]  }
0xd2: {  	v27 =	vld [tilespmem:s24+$0xFFFFFEC0]  }
0xd3: {  	v28 =	vld [tilespmem:s24+$0xFFFFFEA0]  }
0xd4: {  	v29 =	vld [tilespmem:s24+$0xFFFFFE80]  }
0xd5: {  	v30 =	vld [tilespmem:s24+$0xFFFFFE60]  }
.Ltmp4:
0xd6: {  	v31 =	vld [tilespmem:s24+$0xFFFFFE40];
	(pc) =	sbr.rel @p0 .LBB2_7-.Ltmp4, $4  }
0xd7: {  	v32 =	vld [tilespmem:s24+$0xFFFFFE30]  }
0xd8: {  	v33 =	vld [tilespmem:s24+$0xFFFFFE20]  }
0xd9: {  	v34 =	vld [tilespmem:s24+$0xFFFFFE00]  }
0xda: {  	s26 =	sadd.s32 $0x80, s26;
	v35 =	vld [tilespmem:s24+$0xFFFFFE10]  }
0xdb: {  	v36 =	vld [tilespmem:s24+$0xFFFFFE50]  }
0xdc: {  	v37 =	vld [tilespmem:s24+$0xFFFFFE70]  }
0xdd: {  	v38 =	vld [tilespmem:s24+$0xFFFFFE90]  }
0xde: {  	v62 =	vld [tilespmem:s24+$0xFFFFFEB0];
	v33 =	vmax.bf16 v34, v33  }
0xdf: {  	v63 =	vld [tilespmem:s24+$0xFFFFFED0];
	v32 =	vmax.bf16 v35, v32;
	v31 =	vmax.bf16 v33, v31  }
0xe0: {  	v32 =	vmax.bf16 v32, v36;
	v30 =	vmax.bf16 v31, v30;
	v31 =	vld [tilespmem:s24+$0xFFFFFEF0]  }
0xe1: {  	v32 =	vmax.bf16 v32, v37;
	v29 =	vmax.bf16 v30, v29;
	v30 =	vld [tilespmem:s24+$0xFFFFFF10]  }
0xe2: {  	v32 =	vmax.bf16 v32, v38;
	v28 =	vmax.bf16 v29, v28;
	v29 =	vld [tilespmem:s24+$0xFFFFFF30]  }
0xe3: {  	v32 =	vmax.bf16 v32, v62;
	v27 =	vmax.bf16 v28, v27;
	v28 =	vld [tilespmem:s24+$0xFFFFFF50]  }
0xe4: {  	v32 =	vmax.bf16 v32, v63;
	v26 =	vmax.bf16 v27, v26;
	v27 =	vld [tilespmem:s24+$0xFFFFFF70]  }
0xe5: {  	v31 =	vmax.bf16 v32, v31;
	v25 =	vmax.bf16 v26, v25;
	v26 =	vld [tilespmem:s24+$0xFFFFFF90]  }
0xe6: {  	v30 =	vmax.bf16 v31, v30;
	v24 =	vmax.bf16 v25, v24;
	v25 =	vld [tilespmem:s24+$0xFFFFFFB0]  }
0xe7: {  	v29 =	vmax.bf16 v30, v29;
	v23 =	vmax.bf16 v24, v23;
	v24 =	vld [tilespmem:s24+$0xFFFFFFD0]  }
0xe8: {  	v28 =	vmax.bf16 v29, v28;
	v22 =	vmax.bf16 v23, v22;
	v23 =	vld [tilespmem:s24+$0xFFFFFFF0]  }
0xe9: {  	v27 =	vmax.bf16 v28, v27;
	v21 =	vmax.bf16 v22, v21;
	v22 =	vld [tilespmem:s24+$0x10]  }
0xea: {  	v26 =	vmax.bf16 v27, v26;
	v20 =	vmax.bf16 v21, v20;
	v21 =	vld [tilespmem:s24+$0x30]  }
0xeb: {  	v25 =	vmax.bf16 v26, v25;
	v19 =	vmax.bf16 v20, v19;
	v20 =	vld [tilespmem:s24+$0x50]  }
0xec: {  	v24 =	vmax.bf16 v25, v24;
	v18 =	vmax.bf16 v19, v18;
	v19 =	vld [tilespmem:s24+$0x70]  }
0xed: {  	v23 =	vmax.bf16 v24, v23;
	v17 =	vmax.bf16 v18, v17;
	v18 =	vld [tilespmem:s24+$0x90]  }
0xee: {  	v22 =	vmax.bf16 v23, v22;
	v16 =	vmax.bf16 v17, v16;
	v17 =	vld [tilespmem:s24+$0xB0]  }
0xef: {  	v21 =	vmax.bf16 v22, v21;
	v15 =	vmax.bf16 v16, v15;
	v16 =	vld [tilespmem:s24+$0xD0]  }
0xf0: {  	v20 =	vmax.bf16 v21, v20;
	v14 =	vmax.bf16 v15, v14;
	v15 =	vld [tilespmem:s24+$0xF0]  }
0xf1: {  	v19 =	vmax.bf16 v20, v19;
	v13 =	vmax.bf16 v14, v13;
	v14 =	vld [tilespmem:s24+$0x110]  }
0xf2: {  	v18 =	vmax.bf16 v19, v18;
	v12 =	vmax.bf16 v13, v12;
	v13 =	vld [tilespmem:s24+$0x130]  }
0xf3: {  	v17 =	vmax.bf16 v18, v17;
	v11 =	vmax.bf16 v12, v11;
	v12 =	vld [tilespmem:s24+$0x150]  }
0xf4: {  	v16 =	vmax.bf16 v17, v16;
	v10 =	vmax.bf16 v11, v10;
	v11 =	vld [tilespmem:s24+$0x170]  }
0xf5: {  	v15 =	vmax.bf16 v16, v15;
	v9 =	vmax.bf16 v10, v9;
	v10 =	vld [tilespmem:s24+$0x190]  }
0xf6: {  	v14 =	vmax.bf16 v15, v14;
	v8 =	vmax.bf16 v9, v8;
	v9 =	vld [tilespmem:s24+$0x1B0]  }
0xf7: {  	v13 =	vmax.bf16 v14, v13;
	v7 =	vmax.bf16 v8, v7;
	v8 =	vld [tilespmem:s24+$0x1D0]  }
0xf8: {  	v12 =	vmax.bf16 v13, v12;
	v6 =	vmax.bf16 v7, v6;
	v7 =	vld [tilespmem:s24+$0x1F0]  }
0xf9: {  	v11 =	vmax.bf16 v12, v11;
	v5 =	vmax.bf16 v6, v5  }
0xfa: {  	v6 =	vmax.bf16 v11, v10;
	v3 =	vmax.bf16 v5, v3  }
0xfb: {  	v5 =	vmax.bf16 v6, v9;
	v2 =	vmax.bf16 v3, v2  }
0xfc: {  	s31 =	sshra.s32 s25, $0x2;
	p0 =	seq.s32 s20, $0x13;
	v3 =	vmax.bf16 v5, v8;
	v1 =	vmax.bf16 v2, v1  }
0xfd: {  	s25 =	sshrl.u32 @!p0 s23, $0x2;
	v2 =	vmax.bf16 v3, v7;
	[tilespmem:v4+s31+$0xFFFFFFF0 ss:$0x1] =	vst.idx.msk $0xffff, v1  }
0xfe: {  	s26 =	simm.s32 @!p0 $0x7620;
	s24 =	sadd.s32 @!p0 $0x200, s25;
	s25 =	simm.s32 @!p0 $0x100;
	[tilespmem:v4+s31+$0x0 ss:$0x1] =	vst.idx.msk $0xffff, v2  }
0xff: {  	[tilespmem:s26], [sflag:$0x1] =	stream.indirect.gather @!p0 [spmem:s2], $0x20, s24, s25, $0xb8;
	[tilespmem:$0x10530] =	vst v63  }
0x100: {  	_ =	swait.ge [sflag:s17], $0x2000  }
0x101: {  	[sflag:s17] =	ssyncset.done $0x0  }
0x102: {  	s24 =	simm.s32 $0x9820;
	[sflag:s17] =	ssyncadd.s32 $0xFFFFE000  }
0x103: {  	v1 =	vld [tilespmem:s24+$0x1E0]  }
0x104: {  	v2 =	vld [tilespmem:s24+$0x1C0]  }
0x105: {  	v3 =	vld [tilespmem:s24+$0x1A0]  }
0x106: {  	v5 =	vld [tilespmem:s24+$0x180]  }
0x107: {  	v6 =	vld [tilespmem:s24+$0x160]  }
0x108: {  	v7 =	vld [tilespmem:s24+$0x140]  }
0x109: {  	v8 =	vld [tilespmem:s24+$0x120]  }
0x10a: {  	v9 =	vld [tilespmem:s24+$0x100]  }
0x10b: {  	v10 =	vld [tilespmem:s24+$0xE0]  }
0x10c: {  	v11 =	vld [tilespmem:s24+$0xC0]  }
0x10d: {  	v12 =	vld [tilespmem:s24+$0xA0]  }
0x10e: {  	v13 =	vld [tilespmem:s24+$0x80]  }
0x10f: {  	v14 =	vld [tilespmem:s24+$0x60]  }
0x110: {  	v15 =	vld [tilespmem:s24+$0x40]  }
0x111: {  	v16 =	vld [tilespmem:s24+$0x20]  }
0x112: {  	v17 =	vld [tilespmem:s24+$0x0]  }
0x113: {  	v18 =	vld [tilespmem:s24+$0xFFFFFFE0]  }
0x114: {  	v19 =	vld [tilespmem:s24+$0xFFFFFFC0]  }
0x115: {  	v20 =	vld [tilespmem:s24+$0xFFFFFFA0]  }
0x116: {  	v21 =	vld [tilespmem:s24+$0xFFFFFF80]  }
0x117: {  	v22 =	vld [tilespmem:s24+$0xFFFFFF60]  }
0x118: {  	v23 =	vld [tilespmem:s24+$0xFFFFFF40]  }
0x119: {  	v24 =	vld [tilespmem:s24+$0xFFFFFF20]  }
0x11a: {  	v25 =	vld [tilespmem:s24+$0xFFFFFF00]  }
0x11b: {  	v26 =	vld [tilespmem:s24+$0xFFFFFEE0]  }
0x11c: {  	v27 =	vld [tilespmem:s24+$0xFFFFFEC0]  }
0x11d: {  	v28 =	vld [tilespmem:s24+$0xFFFFFEA0]  }
0x11e: {  	v29 =	vld [tilespmem:s24+$0xFFFFFE80]  }
0x11f: {  	v30 =	vld [tilespmem:s24+$0xFFFFFE60]  }
0x120: {  	v31 =	vld [tilespmem:s24+$0xFFFFFE40]  }
0x121: {  	v32 =	vld [tilespmem:s24+$0xFFFFFE30]  }
0x122: {  	v33 =	vld [tilespmem:s24+$0xFFFFFE20]  }
0x123: {  	v34 =	vld [tilespmem:s24+$0xFFFFFE00]  }
0x124: {  	v4 =	vmov s22;
	s25 =	simm.s32 $0x0;
	s26 =	simm.s32 $0x80;
	v35 =	vld [tilespmem:s24+$0xFFFFFE10]  }
.LBB2_9:
0x125: {  	p1 =	sne.s32 s26, $0x380;
	v36 =	vld [tilespmem:s24+$0xFFFFFE50]  }
0x126: {  	v37 =	vld [tilespmem:s24+$0xFFFFFE70]  }
0x127: {  	v38 =	vld [tilespmem:s24+$0xFFFFFE90]  }
0x128: {  	v33 =	vmax.bf16 v34, v33;
	v34 =	vld [tilespmem:s24+$0xFFFFFEB0]  }
0x129: {  	v32 =	vmax.bf16 v35, v32;
	v31 =	vmax.bf16 v33, v31;
	v33 =	vld [tilespmem:s24+$0xFFFFFED0]  }
0x12a: {  	v32 =	vmax.bf16 v32, v36;
	v30 =	vmax.bf16 v31, v30;
	v31 =	vld [tilespmem:s24+$0xFFFFFEF0]  }
0x12b: {  	v32 =	vmax.bf16 v32, v37;
	v29 =	vmax.bf16 v30, v29;
	v30 =	vld [tilespmem:s24+$0xFFFFFF10]  }
0x12c: {  	v32 =	vmax.bf16 v32, v38;
	v28 =	vmax.bf16 v29, v28;
	v29 =	vld [tilespmem:s24+$0xFFFFFF30]  }
0x12d: {  	v32 =	vmax.bf16 v32, v34;
	v27 =	vmax.bf16 v28, v27;
	v28 =	vld [tilespmem:s24+$0xFFFFFF50]  }
0x12e: {  	v32 =	vmax.bf16 v32, v33;
	v26 =	vmax.bf16 v27, v26;
	v27 =	vld [tilespmem:s24+$0xFFFFFF70]  }
0x12f: {  	v31 =	vmax.bf16 v32, v31;
	v25 =	vmax.bf16 v26, v25;
	v26 =	vld [tilespmem:s24+$0xFFFFFF90]  }
0x130: {  	v30 =	vmax.bf16 v31, v30;
	v24 =	vmax.bf16 v25, v24;
	v25 =	vld [tilespmem:s24+$0xFFFFFFB0]  }
0x131: {  	v29 =	vmax.bf16 v30, v29;
	v23 =	vmax.bf16 v24, v23;
	v24 =	vld [tilespmem:s24+$0xFFFFFFD0]  }
0x132: {  	v28 =	vmax.bf16 v29, v28;
	v22 =	vmax.bf16 v23, v22;
	v23 =	vld [tilespmem:s24+$0xFFFFFFF0]  }
0x133: {  	v27 =	vmax.bf16 v28, v27;
	v21 =	vmax.bf16 v22, v21;
	v22 =	vld [tilespmem:s24+$0x10]  }
0x134: {  	v26 =	vmax.bf16 v27, v26;
	v20 =	vmax.bf16 v21, v20;
	v21 =	vld [tilespmem:s24+$0x30]  }
0x135: {  	v25 =	vmax.bf16 v26, v25;
	v19 =	vmax.bf16 v20, v19;
	v20 =	vld [tilespmem:s24+$0x50]  }
0x136: {  	v24 =	vmax.bf16 v25, v24;
	v18 =	vmax.bf16 v19, v18;
	v19 =	vld [tilespmem:s24+$0x70]  }
0x137: {  	v23 =	vmax.bf16 v24, v23;
	v17 =	vmax.bf16 v18, v17;
	v18 =	vld [tilespmem:s24+$0x90]  }
0x138: {  	v22 =	vmax.bf16 v23, v22;
	v16 =	vmax.bf16 v17, v16;
	v17 =	vld [tilespmem:s24+$0xB0]  }
0x139: {  	v21 =	vmax.bf16 v22, v21;
	v15 =	vmax.bf16 v16, v15;
	v16 =	vld [tilespmem:s24+$0xD0]  }
0x13a: {  	v20 =	vmax.bf16 v21, v20;
	v14 =	vmax.bf16 v15, v14;
	v15 =	vld [tilespmem:s24+$0xF0]  }
0x13b: {  	v19 =	vmax.bf16 v20, v19;
	v13 =	vmax.bf16 v14, v13;
	v14 =	vld [tilespmem:s24+$0x110]  }
0x13c: {  	v18 =	vmax.bf16 v19, v18;
	v12 =	vmax.bf16 v13, v12;
	v13 =	vld [tilespmem:s24+$0x130]  }
0x13d: {  	v17 =	vmax.bf16 v18, v17;
	v11 =	vmax.bf16 v12, v11;
	v12 =	vld [tilespmem:s24+$0x150]  }
0x13e: {  	v16 =	vmax.bf16 v17, v16;
	v10 =	vmax.bf16 v11, v10;
	v11 =	vld [tilespmem:s24+$0x170]  }
0x13f: {  	v15 =	vmax.bf16 v16, v15;
	v9 =	vmax.bf16 v10, v9;
	v10 =	vld [tilespmem:s24+$0x190]  }
0x140: {  	v14 =	vmax.bf16 v15, v14;
	v8 =	vmax.bf16 v9, v8;
	v9 =	vld [tilespmem:s24+$0x1B0]  }
0x141: {  	v13 =	vmax.bf16 v14, v13;
	v7 =	vmax.bf16 v8, v7;
	v8 =	vld [tilespmem:s24+$0x1D0]  }
0x142: {  	v12 =	vmax.bf16 v13, v12;
	v6 =	vmax.bf16 v7, v6;
	v7 =	vld [tilespmem:s24+$0x1F0]  }
0x143: {  	v11 =	vmax.bf16 v12, v11;
	v5 =	vmax.bf16 v6, v5  }
0x144: {  	v6 =	vmax.bf16 v11, v10;
	v3 =	vmax.bf16 v5, v3  }
0x145: {  	v5 =	vmax.bf16 v6, v9;
	v2 =	vmax.bf16 v3, v2  }
0x146: {  	s28 =	sshra.s32 s25, $0x2;
	s25 =	smov.u32 s26;
	v3 =	vmax.bf16 v5, v8;
	v1 =	vmax.bf16 v2, v1  }
0x147: {  	v2 =	vmax.bf16 v3, v7;
	[tilespmem:v4+s28+$0xFFFFFFF0 ss:$0x1] =	vst.idx.msk $0xffff, v1  }
0x148: {  	s24 =	sadd.s32 $0x400, s24;
	[tilespmem:v4+s28+$0x0 ss:$0x1] =	vst.idx.msk $0xffff, v2  }
0x149: {  	v1 =	vld [tilespmem:s24+$0x1E0]  }
0x14a: {  	v2 =	vld [tilespmem:s24+$0x1C0]  }
0x14b: {  	v3 =	vld [tilespmem:s24+$0x1A0]  }
0x14c: {  	v5 =	vld [tilespmem:s24+$0x180]  }
0x14d: {  	v6 =	vld [tilespmem:s24+$0x160]  }
0x14e: {  	v7 =	vld [tilespmem:s24+$0x140]  }
0x14f: {  	v8 =	vld [tilespmem:s24+$0x120]  }
0x150: {  	v9 =	vld [tilespmem:s24+$0x100]  }
0x151: {  	v10 =	vld [tilespmem:s24+$0xE0]  }
0x152: {  	v11 =	vld [tilespmem:s24+$0xC0]  }
0x153: {  	v12 =	vld [tilespmem:s24+$0xA0]  }
0x154: {  	v13 =	vld [tilespmem:s24+$0x80]  }
0x155: {  	v14 =	vld [tilespmem:s24+$0x60]  }
0x156: {  	v15 =	vld [tilespmem:s24+$0x40]  }
0x157: {  	v16 =	vld [tilespmem:s24+$0x20]  }
0x158: {  	v17 =	vld [tilespmem:s24+$0x0]  }
0x159: {  	v18 =	vld [tilespmem:s24+$0xFFFFFFE0]  }
0x15a: {  	v19 =	vld [tilespmem:s24+$0xFFFFFFC0]  }
0x15b: {  	v20 =	vld [tilespmem:s24+$0xFFFFFFA0]  }
0x15c: {  	v21 =	vld [tilespmem:s24+$0xFFFFFF80]  }
0x15d: {  	v22 =	vld [tilespmem:s24+$0xFFFFFF60]  }
0x15e: {  	v23 =	vld [tilespmem:s24+$0xFFFFFF40]  }
0x15f: {  	v24 =	vld [tilespmem:s24+$0xFFFFFF20]  }
0x160: {  	v25 =	vld [tilespmem:s24+$0xFFFFFF00]  }
0x161: {  	v26 =	vld [tilespmem:s24+$0xFFFFFEE0]  }
0x162: {  	v27 =	vld [tilespmem:s24+$0xFFFFFEC0]  }
0x163: {  	v28 =	vld [tilespmem:s24+$0xFFFFFEA0]  }
0x164: {  	v29 =	vld [tilespmem:s24+$0xFFFFFE80]  }
0x165: {  	v30 =	vld [tilespmem:s24+$0xFFFFFE60]  }
.Ltmp5:
0x166: {  	v31 =	vld [tilespmem:s24+$0xFFFFFE40];
	(pc) =	sbr.rel @p1 .LBB2_9-.Ltmp5, $4  }
0x167: {  	v32 =	vld [tilespmem:s24+$0xFFFFFE30]  }
0x168: {  	v33 =	vld [tilespmem:s24+$0xFFFFFE20]  }
0x169: {  	v34 =	vld [tilespmem:s24+$0xFFFFFE00]  }
0x16a: {  	s26 =	sadd.s32 $0x80, s26;
	v35 =	vld [tilespmem:s24+$0xFFFFFE10]  }
0x16b: {  	v36 =	vld [tilespmem:s24+$0xFFFFFE50]  }
0x16c: {  	v37 =	vld [tilespmem:s24+$0xFFFFFE70]  }
0x16d: {  	v38 =	vld [tilespmem:s24+$0xFFFFFE90]  }
0x16e: {  	v62 =	vld [tilespmem:s24+$0xFFFFFEB0];
	v33 =	vmax.bf16 v34, v33  }
0x16f: {  	v63 =	vld [tilespmem:s24+$0xFFFFFED0];
	v32 =	vmax.bf16 v35, v32;
	v31 =	vmax.bf16 v33, v31  }
0x170: {  	v32 =	vmax.bf16 v32, v36;
	v30 =	vmax.bf16 v31, v30;
	v36 =	vld [tilespmem:s24+$0xFFFFFEF0]  }
0x171: {  	v32 =	vmax.bf16 v32, v37;
	v29 =	vmax.bf16 v30, v29;
	v37 =	vld [tilespmem:s24+$0xFFFFFF10]  }
0x172: {  	v39 =	vld [tilespmem:s24+$0xFFFFFF30];
	v32 =	vmax.bf16 v32, v38;
	v28 =	vmax.bf16 v29, v28  }
0x173: {  	v40 =	vld [tilespmem:s24+$0xFFFFFF50];
	v32 =	vmax.bf16 v32, v62;
	v27 =	vmax.bf16 v28, v27  }
0x174: {  	v41 =	vld [tilespmem:s24+$0xFFFFFF70];
	v32 =	vmax.bf16 v32, v63;
	v26 =	vmax.bf16 v27, v26  }
0x175: {  	v42 =	vld [tilespmem:s24+$0xFFFFFF90];
	v31 =	vmax.bf16 v32, v36;
	v25 =	vmax.bf16 v26, v25  }
0x176: {  	v43 =	vld [tilespmem:s24+$0xFFFFFFB0];
	v30 =	vmax.bf16 v31, v37;
	v24 =	vmax.bf16 v25, v24  }
0x177: {  	v44 =	vld [tilespmem:s24+$0xFFFFFFD0];
	v29 =	vmax.bf16 v30, v39;
	v23 =	vmax.bf16 v24, v23  }
0x178: {  	v45 =	vld [tilespmem:s24+$0xFFFFFFF0];
	v28 =	vmax.bf16 v29, v40;
	v22 =	vmax.bf16 v23, v22  }
0x179: {  	v46 =	vld [tilespmem:s24+$0x10];
	v27 =	vmax.bf16 v28, v41;
	v21 =	vmax.bf16 v22, v21  }
0x17a: {  	v47 =	vld [tilespmem:s24+$0x30];
	v26 =	vmax.bf16 v27, v42;
	v20 =	vmax.bf16 v21, v20  }
0x17b: {  	v48 =	vld [tilespmem:s24+$0x50];
	v25 =	vmax.bf16 v26, v43;
	v19 =	vmax.bf16 v20, v19  }
0x17c: {  	v49 =	vld [tilespmem:s24+$0x70];
	v24 =	vmax.bf16 v25, v44;
	v18 =	vmax.bf16 v19, v18  }
0x17d: {  	v50 =	vld [tilespmem:s24+$0x90];
	v23 =	vmax.bf16 v24, v45;
	v17 =	vmax.bf16 v18, v17  }
0x17e: {  	v51 =	vld [tilespmem:s24+$0xB0];
	v22 =	vmax.bf16 v23, v46;
	v16 =	vmax.bf16 v17, v16  }
0x17f: {  	v52 =	vld [tilespmem:s24+$0xD0];
	v21 =	vmax.bf16 v22, v47;
	v15 =	vmax.bf16 v16, v15  }
0x180: {  	v53 =	vld [tilespmem:s24+$0xF0];
	v20 =	vmax.bf16 v21, v48;
	v14 =	vmax.bf16 v15, v14  }
0x181: {  	v54 =	vld [tilespmem:s24+$0x110];
	v19 =	vmax.bf16 v20, v49;
	v13 =	vmax.bf16 v14, v13  }
0x182: {  	v55 =	vld [tilespmem:s24+$0x130];
	v18 =	vmax.bf16 v19, v50;
	v12 =	vmax.bf16 v13, v12  }
0x183: {  	v56 =	vld [tilespmem:s24+$0x150];
	v17 =	vmax.bf16 v18, v51;
	v11 =	vmax.bf16 v12, v11  }
0x184: {  	v57 =	vld [tilespmem:s24+$0x170];
	v16 =	vmax.bf16 v17, v52;
	v10 =	vmax.bf16 v11, v10  }
0x185: {  	v58 =	vld [tilespmem:s24+$0x190];
	v15 =	vmax.bf16 v16, v53;
	v9 =	vmax.bf16 v10, v9  }
0x186: {  	v59 =	vld [tilespmem:s24+$0x1B0];
	v14 =	vmax.bf16 v15, v54;
	v8 =	vmax.bf16 v9, v8  }
0x187: {  	v60 =	vld [tilespmem:s24+$0x1D0];
	v13 =	vmax.bf16 v14, v55;
	v7 =	vmax.bf16 v8, v7  }
0x188: {  	v61 =	vld [tilespmem:s24+$0x1F0];
	v12 =	vmax.bf16 v13, v56;
	v6 =	vmax.bf16 v7, v6  }
0x189: {  	v11 =	vmax.bf16 v12, v57;
	v5 =	vmax.bf16 v6, v5  }
.Ltmp6:
0x18a: {  	v62 =	vmax.bf16 v11, v58;
	v3 =	vmax.bf16 v5, v3;
	(pc) =	sbr.rel @p0 .LBB2_12-.Ltmp6, $4  }
0x18b: {  	v63 =	vmax.bf16 v62, v59;
	v2 =	vmax.bf16 v3, v2  }
0x18c: {  	s31 =	sshra.s32 s25, $0x2;
	v3 =	vmax.bf16 v63, v60;
	v1 =	vmax.bf16 v2, v1  }
0x18d: {  	v2 =	vmax.bf16 v3, v61;
	[tilespmem:v4+s31+$0xFFFFFFF0 ss:$0x1] =	vst.idx.msk $0xffff, v1  }
0x18e: {  	[tilespmem:v4+s31+$0x0 ss:$0x1] =	vst.idx.msk $0xffff, v2  }
.Ltmp7:
0x18f: {  	(pc) =	sbr.rel .LBB2_6-.Ltmp7, $4  }
0x190: {  	_ = 	snop  }
0x191: {  	s23 =	sshrl.u32 s23, $0x2;
	s20 =	sadd.s32 $0x1, s20  }
0x192: {  	s21 =	sadd.s32 $0x200, s21;
	s22 =	sadd.s32 $0x200, s22;
	s23 =	sadd.s32 $0x300, s23  }
0x193: {  	[tilespmem:s14], [sflag:$0x2] =	stream.indirect.gather [spmem:s2], $0x20, s23, s12, $0xb8;
	[tilespmem:$0x10530] =	vst v63  }
.LBB2_13:
0x194: {  	_ =	sfence.sel $0x180000  }
0x195: {  	[bflag:$0x0] =	sbarrier.arrive $0xFFFF  }
0x196: {  	p0 =	sne.s32 s1, $0x0;
	_ =	strace $0x90000047  }
0x197: {  	s0 =	sadd.s32 @!p0 $0x100000, s0;
	[bflag:$0x2] =	sbarrier.arrive $0xFFFF  }
0x198: {  	[sflag:s0] =	ssyncadd.tile.s32 @!p0 $0x1;
	_ =	shalt  }
.Lfunc_end2:
_tile_overlayer_lowered:
.L_overlay_start_2:
0x199: {  	(tag) =	ssettag $0x2  }
0x19a: {  	s0 =	rddreg [dreg:$0x0];
	s2 =	stileid.u32  }
0x19b: {  	s1 =	rddreg [dreg:$0x1];
	p0 =	sne.s32 s2, $0x0  }
0x19c: {  	s3 =	rddreg [dreg:$0x2];
	[bflag:$0x3] =	sbarrier.arrive $0xFFFF;
	s2 =	simm.s32 @!p0 $0x1C03  }
0x19d: {  	[timem:s3], [sflag:s2] =	dma.local @!p0 [hbm:s0], s1  }
0x19e: {  	s0 =	simm.s32 @!p0 $0x3  }
0x19f: {  	_ =	swait.ge @!p0 [sflag:s0], s1  }
0x1a0: {  	s1 =	ssub.s32 @!p0 $0x0, s1;
	[sflag:s0] =	ssyncset.done @!p0 $0x0  }
0x1a1: {  	[sflag:s0] =	ssyncadd.s32 @!p0 s1  }
0x1a2: {  	[bflag:$0x3] =	sbarrier.arrive $0xFFFF  }
0x1a3: {  	_ =	shalt  }

</sc_bundles>
